<compile_context>
chip_gen: v7x
topology: tpu7x:2x2x1
jax: 0.10.2.dev20260603
libtpu: 0.0.44.dev20260713+nightly
codegen_flags: <defaults>
</compile_context>

<pallas_src>
import jax
import jax.numpy as jnp
from jax import lax
from jax.experimental import pallas as pl
from jax.experimental.pallas import tpu as pltpu
from jax.experimental.pallas import tpu_sc as plsc

NUM_CORES = 2
NUM_SUBCORES = 16
NW = NUM_CORES * NUM_SUBCORES
LANES = 16

BATCH = 16384
NFIELD = 26
FIELD_SIZE = 100000
DDIM = 13
BPW = BATCH // NW
CHUNKS = BPW // LANES

SPLIT_F = 20
SPLIT_ROW = SPLIT_F * FIELD_SIZE
NF_A = SPLIT_F
NF_B = NFIELD - SPLIT_F

GROUPS_A = ((0, 7), (7, 7), (14, 6))
GROUPS_B = ((20, 6),)


def _stage_core(xs_v, idx_v, vals_v, acc_v, table_hbm, gsems, groups,
                row_base, init):
  gathers = []
  for g, (f0, nf) in enumerate(groups):
    lf0 = f0 - groups[0][0]

    def idx_body(c, carry, f0=f0, nf=nf, lf0=lf0):
      off = c * LANES
      for j in range(nf):
        f = f0 + j
        idx_v[pl.ds((lf0 + j) * BPW + off, LANES)] = (
            xs_v[f, pl.ds(off, LANES)] + (f * FIELD_SIZE - row_base))
      return carry

    lax.fori_loop(0, CHUNKS, idx_body, 0)
    sl = pl.ds(lf0 * BPW, nf * BPW)
    gathers.append(
        pltpu.async_copy(table_hbm.at[idx_v.at[sl]], vals_v.at[sl], gsems[g]))

  init()

  for g, (f0, nf) in enumerate(groups):
    lf0 = f0 - groups[0][0]
    gathers[g].wait()

    def red_body(c, carry, nf=nf, lf0=lf0):
      off = c * LANES
      acc = acc_v[pl.ds(off, LANES)]
      for j in range(nf):
        acc = acc + vals_v[pl.ds((lf0 + j) * BPW + off, LANES)]
      acc_v[pl.ds(off, LANES)] = acc
      return carry

    lax.fori_loop(0, CHUNKS, red_body, 0)


def _sc_a_body(xs_hbm, table_hbm, out_hbm,
               xs_v, idx_v, vals_v, acc_v, sem_xs, sem_g0, sem_g1, sem_g2):
  wid = lax.axis_index("s") * NUM_CORES + lax.axis_index("c")
  base = wid * BPW
  pltpu.async_copy(xs_hbm.at[:, pl.ds(base, BPW)], xs_v, sem_xs).wait()

  def init():
    def z_body(c, carry):
      acc_v[pl.ds(c * LANES, LANES)] = jnp.zeros((LANES,), jnp.float32)
      return carry
    lax.fori_loop(0, CHUNKS, z_body, 0)

  _stage_core(xs_v, idx_v, vals_v, acc_v, table_hbm,
              [sem_g0, sem_g1, sem_g2], GROUPS_A, 0, init)
  pltpu.sync_copy(acc_v, out_hbm.at[pl.ds(base, BPW)])


def _sc_b_body(xs_hbm, xd_hbm, table_hbm, wd_hbm, bs_hbm, bd_hbm, part_hbm,
               out_hbm, xs_v, idx_v, vals_v, xd_v, wd_v, bs_v, bd_v, part_v,
               acc_v, sem_xs, sem_xd, sem_p, sem_g0):
  wid = lax.axis_index("s") * NUM_CORES + lax.axis_index("c")
  base = wid * BPW
  xs_cp = pltpu.async_copy(xs_hbm.at[:, pl.ds(base, BPW)], xs_v, sem_xs)
  xd_cp = pltpu.async_copy(xd_hbm.at[:, pl.ds(base, BPW)], xd_v, sem_xd)
  pt_cp = pltpu.async_copy(part_hbm.at[pl.ds(base, BPW)], part_v, sem_p)
  pltpu.sync_copy(wd_hbm, wd_v.at[pl.ds(0, DDIM)])
  pltpu.sync_copy(bs_hbm, bs_v.at[pl.ds(0, 1)])
  pltpu.sync_copy(bd_hbm, bd_v.at[pl.ds(0, 1)])
  xs_cp.wait()

  bs_vec = bs_v[pl.ds(0, LANES)]
  bd_vec = bd_v[pl.ds(0, LANES)]
  wd_vec = wd_v[pl.ds(0, LANES)]
  bias = bs_vec[0] + bd_vec[0]
  wds = [wd_vec[d] for d in range(DDIM)]

  def init():
    xd_cp.wait()
    pt_cp.wait()

    def dense_body(c, carry):
      off = c * LANES
      acc = part_v[pl.ds(off, LANES)] + bias
      for d in range(DDIM):
        acc = acc + xd_v[d, pl.ds(off, LANES)] * wds[d]
      acc_v[pl.ds(off, LANES)] = acc
      return carry

    lax.fori_loop(0, CHUNKS, dense_body, 0)

  _stage_core(xs_v, idx_v, vals_v, acc_v, table_hbm,
              [sem_g0], GROUPS_B, SPLIT_ROW, init)
  pltpu.sync_copy(acc_v, out_hbm.at[pl.ds(base, BPW)])


_MESH = dict(core_axis_name="c", subcore_axis_name="s",
             num_cores=NUM_CORES, num_subcores=NUM_SUBCORES)


@jax.jit
def _lrmodel_sc(xs, xd, table_a, table_b, wd, bs, bd):
  fa = pl.kernel(
      _sc_a_body,
      out_type=jax.ShapeDtypeStruct((BATCH,), jnp.float32),
      mesh=plsc.VectorSubcoreMesh(**_MESH),
      scratch_types=[
          pltpu.VMEM((NFIELD, BPW), jnp.int32),
          pltpu.VMEM((BPW * NF_A,), jnp.int32),
          pltpu.VMEM((BPW * NF_A,), jnp.float32),
          pltpu.VMEM((BPW,), jnp.float32),
          pltpu.SemaphoreType.DMA,
          pltpu.SemaphoreType.DMA,
          pltpu.SemaphoreType.DMA,
          pltpu.SemaphoreType.DMA,
      ],
      compiler_params=pltpu.CompilerParams(needs_layout_passes=False),
  )
  partial = fa(xs, table_a)
  fb = pl.kernel(
      _sc_b_body,
      out_type=jax.ShapeDtypeStruct((BATCH,), jnp.float32),
      mesh=plsc.VectorSubcoreMesh(**_MESH),
      scratch_types=[
          pltpu.VMEM((NFIELD, BPW), jnp.int32),
          pltpu.VMEM((BPW * NF_B,), jnp.int32),
          pltpu.VMEM((BPW * NF_B,), jnp.float32),
          pltpu.VMEM((DDIM, BPW), jnp.float32),
          pltpu.VMEM((LANES,), jnp.float32),
          pltpu.VMEM((LANES,), jnp.float32),
          pltpu.VMEM((LANES,), jnp.float32),
          pltpu.VMEM((BPW,), jnp.float32),
          pltpu.VMEM((BPW,), jnp.float32),
          pltpu.SemaphoreType.DMA,
          pltpu.SemaphoreType.DMA,
          pltpu.SemaphoreType.DMA,
          pltpu.SemaphoreType.DMA,
      ],
      compiler_params=pltpu.CompilerParams(needs_layout_passes=False),
  )
  return fb(xs, xd, table_b, wd, bs, bd, partial)


def kernel(x_dense, x_sparse, W_sparse, b_sparse, W_dense, b_dense):
  xs = x_sparse.astype(jnp.int32).T
  xd = x_dense.T
  table_a = W_sparse[:SPLIT_ROW].reshape(-1)
  table_b = W_sparse[SPLIT_ROW:].reshape(-1)
  wd = W_dense.reshape(-1)
  out = _lrmodel_sc(xs, xd, table_a, table_b, wd, b_sparse, b_dense)
  return out.reshape(BATCH, 1)

# --- scband reference (transcript-rebuilt; emitter-appended) ---
"""Pipeline reference for scband-lrmodel-30709016166889 (READ-ONLY COPY).

The authoritative reference and input builder live on the scoring server;
editing this copy changes nothing except your own understanding.
"""

import jax, jax.numpy as jnp
import numpy as np

FIELD_DIMS = [100000] * 26
OFFSETS = np.concatenate(([0], np.cumsum(FIELD_DIMS)[:-1])).astype(np.int64)
TOTAL_ROWS = int(np.sum(FIELD_DIMS))
BATCH = 16384
DENSE_DIM = 13


def setup_inputs(seed: int = 0) -> dict:
    key = jax.random.key(seed)
    k1, k2, k3, k4 = jax.random.split(key, 4)
    x_dense = jax.random.normal(k1, (BATCH, DENSE_DIM), dtype=jnp.float32)
    x_sparse = jax.random.randint(k2, (BATCH, 26), 0, 100000).astype(jnp.int64)
    W_sparse = jax.random.normal(k3, (TOTAL_ROWS, 1), dtype=jnp.float32) * 0.01
    b_sparse = jnp.zeros((1,), dtype=jnp.float32)
    W_dense = jax.random.normal(k4, (DENSE_DIM, 1), dtype=jnp.float32) * 0.1
    b_dense = jnp.zeros((1,), dtype=jnp.float32)
    return {
        "x_dense": x_dense,
        "x_sparse": x_sparse,
        "W_sparse": W_sparse,
        "b_sparse": b_sparse,
        "W_dense": W_dense,
        "b_dense": b_dense,
    }


def reference(x_dense, x_sparse, W_sparse, b_sparse, W_dense, b_dense):
    # SparseLinear: per-field offset into a single concatenated weight table,
    # gather 1-dim weights, sum over fields, add bias.
    offsets = jnp.asarray(OFFSETS, dtype=x_sparse.dtype)
    idx = x_sparse + offsets[None, :]                 # [B, F]
    w = jnp.take(W_sparse, idx, axis=0)               # [B, F, 1] gather (SparseCore)
    sparse_out = jnp.sum(w, axis=1) + b_sparse        # [B, 1]
    # DenseLinear: standard affine projection of dense features.
    dense_out = x_dense @ W_dense + b_dense           # [B, 1]
    return sparse_out + dense_out

if __name__ == "__main__":
    import jax
    _d = setup_inputs()
    print(jax.jit(kernel)(*tuple(_d.values())))

</pallas_src>

<mosaic_0001>
#map = affine_map<(d0, d1) -> (0, 0)>
#map1 = affine_map<(d0, d1) -> (0)>
module attributes {stable_mosaic.version = 14 : i64} {
  func.func @_sc_a_body(%arg0: i32, %arg1: i32, %arg2: memref<26x16384xi32, #tpu.memory_space<hbm>>, %arg3: memref<2000000xf32, #tpu.memory_space<hbm>>, %arg4: memref<16384xf32, #tpu.memory_space<hbm>>, %arg5: memref<26x512xi32, #tpu.memory_space<vmem>>, %arg6: memref<10240xi32, #tpu.memory_space<vmem>>, %arg7: memref<10240xf32, #tpu.memory_space<vmem>>, %arg8: memref<512xf32, #tpu.memory_space<vmem>>, %arg9: memref<!tpu.dma_semaphore, #tpu.memory_space<semaphore_mem>>, %arg10: memref<!tpu.dma_semaphore, #tpu.memory_space<semaphore_mem>>, %arg11: memref<!tpu.dma_semaphore, #tpu.memory_space<semaphore_mem>>, %arg12: memref<!tpu.dma_semaphore, #tpu.memory_space<semaphore_mem>>) attributes {dimension_semantics = [#tpu.dimension_semantics<core_parallel>, #tpu.dimension_semantics<subcore_parallel>], iteration_bounds = array<i64: 2, 16>, scalar_prefetch = 0 : i64, scratch_operands = 8 : i64, tpu.core_type = #tpu.core_type<sc_vector_subcore>, window_params = [{transform_indices = #map}, {transform_indices = #map1}, {transform_indices = #map1}]} {
    %mul3A = arith.constant 2 : i32
    %mul3A_0 = arith.muli %arg1, %mul3A : i32
    %add3A = arith.addi %mul3A_0, %arg0 : i32
    %mul3A_1 = arith.constant 512 : i32
    %mul3A_2 = arith.muli %add3A, %mul3A_1 : i32
    %dma_start3A = arith.constant 0 : i32
    %dma_start3A_3 = tpu.memref_slice %arg2[%dma_start3A, %mul3A_2] : memref<26x16384xi32, #tpu.memory_space<hbm>> -> memref<26x512xi32, #tpu.memory_space<hbm>>
    %dma_start3A_4 = arith.constant 0 : i32
    %dma_start3A_5 = tpu.memref_slice %arg2[%dma_start3A_4, %mul3A_2] : memref<26x16384xi32, #tpu.memory_space<hbm>> -> memref<26x512xi32, #tpu.memory_space<hbm>>
    tpu.enqueue_dma source(%dma_start3A_5 : memref<26x512xi32, #tpu.memory_space<hbm>>) target(%arg5 : memref<26x512xi32, #tpu.memory_space<vmem>>) target_semaphore(%arg9 : memref<!tpu.dma_semaphore, #tpu.memory_space<semaphore_mem>>)
    %dma_wait3A = arith.constant 0 : i32
    %dma_wait3A_6 = tpu.memref_slice %arg2[%dma_wait3A, %mul3A_2] : memref<26x16384xi32, #tpu.memory_space<hbm>> -> memref<26x512xi32, #tpu.memory_space<hbm>>
    %dma_wait3A_7 = arith.constant 0 : i32
    %dma_wait3A_8 = tpu.memref_slice %arg2[%dma_wait3A_7, %mul3A_2] : memref<26x16384xi32, #tpu.memory_space<hbm>> -> memref<26x512xi32, #tpu.memory_space<hbm>>
    tpu.wait_dma2 semaphore(%arg9 : memref<!tpu.dma_semaphore, #tpu.memory_space<semaphore_mem>>) src(%dma_wait3A_8 : memref<26x512xi32, #tpu.memory_space<hbm>>) dst(%arg5 : memref<26x512xi32, #tpu.memory_space<vmem>>)
    %scan3A = arith.constant 0 : i32
    %scan3A_9 = arith.constant 0 : i32
    %scan3A_10 = arith.constant 32 : i32
    %scan3A_11 = arith.addi %scan3A_9, %scan3A_10 : i32
    %scan3A_12 = arith.constant 1 : i32
    scf.for %scan3A_86 = %scan3A_9 to %scan3A_11 step %scan3A_12  : i32 {
      %mul3A_87 = arith.constant 16 : i32
      %mul3A_88 = arith.muli %scan3A_86, %mul3A_87 : i32
      %get3A = arith.constant 0 : i32
      %get3A_89 = arith.index_cast %get3A : i32 to index
      %get3A_90 = arith.index_cast %mul3A_88 : i32 to index
      %get3A_91 = tpu.vector_load %arg5[%get3A_89, %get3A_90] {strides = array<i32>} : memref<26x512xi32, #tpu.memory_space<vmem>>, vector<16xi32>,
      %add3A_92 = arith.constant 0 : i32
      %add3A_93 = vector.broadcast %add3A_92 : i32 to vector<16xi32>
      %add3A_94 = arith.addi %get3A_91, %add3A_93 : vector<16xi32>
      %add3A_95 = arith.constant 0 : i32
      %add3A_96 = arith.addi %add3A_95, %mul3A_88 : i32
      %swap3A = arith.index_cast %add3A_96 : i32 to index
      %swap3A_97 = tpu.vector_load %arg6[%swap3A] {strides = array<i32>} : memref<10240xi32, #tpu.memory_space<vmem>>, vector<16xi32>,
      tpu.vector_store %arg6[%swap3A], %add3A_94 {strides = array<i32>} : memref<10240xi32, #tpu.memory_space<vmem>>, vector<16xi32>,
      %get3A_98 = arith.constant 1 : i32
      %get3A_99 = arith.index_cast %get3A_98 : i32 to index
      %get3A_100 = arith.index_cast %mul3A_88 : i32 to index
      %get3A_101 = tpu.vector_load %arg5[%get3A_99, %get3A_100] {strides = array<i32>} : memref<26x512xi32, #tpu.memory_space<vmem>>, vector<16xi32>,
      %add3A_102 = arith.constant 100000 : i32
      %add3A_103 = vector.broadcast %add3A_102 : i32 to vector<16xi32>
      %add3A_104 = arith.addi %get3A_101, %add3A_103 : vector<16xi32>
      %add3A_105 = arith.constant 512 : i32
      %add3A_106 = arith.addi %add3A_105, %mul3A_88 : i32
      %swap3A_107 = arith.index_cast %add3A_106 : i32 to index
      %swap3A_108 = tpu.vector_load %arg6[%swap3A_107] {strides = array<i32>} : memref<10240xi32, #tpu.memory_space<vmem>>, vector<16xi32>,
      tpu.vector_store %arg6[%swap3A_107], %add3A_104 {strides = array<i32>} : memref<10240xi32, #tpu.memory_space<vmem>>, vector<16xi32>,
      %get3A_109 = arith.constant 2 : i32
      %get3A_110 = arith.index_cast %get3A_109 : i32 to index
      %get3A_111 = arith.index_cast %mul3A_88 : i32 to index
      %get3A_112 = tpu.vector_load %arg5[%get3A_110, %get3A_111] {strides = array<i32>} : memref<26x512xi32, #tpu.memory_space<vmem>>, vector<16xi32>,
      %add3A_113 = arith.constant 200000 : i32
      %add3A_114 = vector.broadcast %add3A_113 : i32 to vector<16xi32>
      %add3A_115 = arith.addi %get3A_112, %add3A_114 : vector<16xi32>
      %add3A_116 = arith.constant 1024 : i32
      %add3A_117 = arith.addi %add3A_116, %mul3A_88 : i32
      %swap3A_118 = arith.index_cast %add3A_117 : i32 to index
      %swap3A_119 = tpu.vector_load %arg6[%swap3A_118] {strides = array<i32>} : memref<10240xi32, #tpu.memory_space<vmem>>, vector<16xi32>,
      tpu.vector_store %arg6[%swap3A_118], %add3A_115 {strides = array<i32>} : memref<10240xi32, #tpu.memory_space<vmem>>, vector<16xi32>,
      %get3A_120 = arith.constant 3 : i32
      %get3A_121 = arith.index_cast %get3A_120 : i32 to index
      %get3A_122 = arith.index_cast %mul3A_88 : i32 to index
      %get3A_123 = tpu.vector_load %arg5[%get3A_121, %get3A_122] {strides = array<i32>} : memref<26x512xi32, #tpu.memory_space<vmem>>, vector<16xi32>,
      %add3A_124 = arith.constant 300000 : i32
      %add3A_125 = vector.broadcast %add3A_124 : i32 to vector<16xi32>
      %add3A_126 = arith.addi %get3A_123, %add3A_125 : vector<16xi32>
      %add3A_127 = arith.constant 1536 : i32
      %add3A_128 = arith.addi %add3A_127, %mul3A_88 : i32
      %swap3A_129 = arith.index_cast %add3A_128 : i32 to index
      %swap3A_130 = tpu.vector_load %arg6[%swap3A_129] {strides = array<i32>} : memref<10240xi32, #tpu.memory_space<vmem>>, vector<16xi32>,
      tpu.vector_store %arg6[%swap3A_129], %add3A_126 {strides = array<i32>} : memref<10240xi32, #tpu.memory_space<vmem>>, vector<16xi32>,
      %get3A_131 = arith.constant 4 : i32
      %get3A_132 = arith.index_cast %get3A_131 : i32 to index
      %get3A_133 = arith.index_cast %mul3A_88 : i32 to index
      %get3A_134 = tpu.vector_load %arg5[%get3A_132, %get3A_133] {strides = array<i32>} : memref<26x512xi32, #tpu.memory_space<vmem>>, vector<16xi32>,
      %add3A_135 = arith.constant 400000 : i32
      %add3A_136 = vector.broadcast %add3A_135 : i32 to vector<16xi32>
      %add3A_137 = arith.addi %get3A_134, %add3A_136 : vector<16xi32>
      %add3A_138 = arith.constant 2048 : i32
      %add3A_139 = arith.addi %add3A_138, %mul3A_88 : i32
      %swap3A_140 = arith.index_cast %add3A_139 : i32 to index
      %swap3A_141 = tpu.vector_load %arg6[%swap3A_140] {strides = array<i32>} : memref<10240xi32, #tpu.memory_space<vmem>>, vector<16xi32>,
      tpu.vector_store %arg6[%swap3A_140], %add3A_137 {strides = array<i32>} : memref<10240xi32, #tpu.memory_space<vmem>>, vector<16xi32>,
      %get3A_142 = arith.constant 5 : i32
      %get3A_143 = arith.index_cast %get3A_142 : i32 to index
      %get3A_144 = arith.index_cast %mul3A_88 : i32 to index
      %get3A_145 = tpu.vector_load %arg5[%get3A_143, %get3A_144] {strides = array<i32>} : memref<26x512xi32, #tpu.memory_space<vmem>>, vector<16xi32>,
      %add3A_146 = arith.constant 500000 : i32
      %add3A_147 = vector.broadcast %add3A_146 : i32 to vector<16xi32>
      %add3A_148 = arith.addi %get3A_145, %add3A_147 : vector<16xi32>
      %add3A_149 = arith.constant 2560 : i32
      %add3A_150 = arith.addi %add3A_149, %mul3A_88 : i32
      %swap3A_151 = arith.index_cast %add3A_150 : i32 to index
      %swap3A_152 = tpu.vector_load %arg6[%swap3A_151] {strides = array<i32>} : memref<10240xi32, #tpu.memory_space<vmem>>, vector<16xi32>,
      tpu.vector_store %arg6[%swap3A_151], %add3A_148 {strides = array<i32>} : memref<10240xi32, #tpu.memory_space<vmem>>, vector<16xi32>,
      %get3A_153 = arith.constant 6 : i32
      %get3A_154 = arith.index_cast %get3A_153 : i32 to index
      %get3A_155 = arith.index_cast %mul3A_88 : i32 to index
      %get3A_156 = tpu.vector_load %arg5[%get3A_154, %get3A_155] {strides = array<i32>} : memref<26x512xi32, #tpu.memory_space<vmem>>, vector<16xi32>,
      %add3A_157 = arith.constant 600000 : i32
      %add3A_158 = vector.broadcast %add3A_157 : i32 to vector<16xi32>
      %add3A_159 = arith.addi %get3A_156, %add3A_158 : vector<16xi32>
      %add3A_160 = arith.constant 3072 : i32
      %add3A_161 = arith.addi %add3A_160, %mul3A_88 : i32
      %swap3A_162 = arith.index_cast %add3A_161 : i32 to index
      %swap3A_163 = tpu.vector_load %arg6[%swap3A_162] {strides = array<i32>} : memref<10240xi32, #tpu.memory_space<vmem>>, vector<16xi32>,
      tpu.vector_store %arg6[%swap3A_162], %add3A_159 {strides = array<i32>} : memref<10240xi32, #tpu.memory_space<vmem>>, vector<16xi32>,
    }
    %scan3A_13 = arith.constant 32 : i32
    %dma_start3A_14 = arith.constant 0 : i32
    %dma_start3A_15 = tpu.memref_slice %arg7[%dma_start3A_14] : memref<10240xf32, #tpu.memory_space<vmem>> -> memref<3584xf32, #tpu.memory_space<vmem>>
    %dma_start3A_16 = arith.constant 0 : i32
    %dma_start3A_17 = tpu.memref_slice %arg6[%dma_start3A_16] : memref<10240xi32, #tpu.memory_space<vmem>> -> memref<3584xi32, #tpu.memory_space<vmem>>
    %dma_start3A_18 = arith.constant 0 : i32
    %dma_start3A_19 = tpu.memref_slice %arg3[%dma_start3A_18] : memref<2000000xf32, #tpu.memory_space<hbm>> -> memref<2000000xf32, #tpu.memory_space<hbm>>
    tpu.enqueue_indirect_dma source(%dma_start3A_19 : memref<2000000xf32, #tpu.memory_space<hbm>>) target(%dma_start3A_15 : memref<3584xf32, #tpu.memory_space<vmem>>) offsets(%dma_start3A_17 : memref<3584xi32, #tpu.memory_space<vmem>>) semaphore(%arg10 : memref<!tpu.dma_semaphore, #tpu.memory_space<semaphore_mem>>)
    %scan3A_20 = arith.constant 0 : i32
    %scan3A_21 = arith.constant 0 : i32
    %scan3A_22 = arith.constant 32 : i32
    %scan3A_23 = arith.addi %scan3A_21, %scan3A_22 : i32
    %scan3A_24 = arith.constant 1 : i32
    scf.for %scan3A_86 = %scan3A_21 to %scan3A_23 step %scan3A_24  : i32 {
      %mul3A_87 = arith.constant 16 : i32
      %mul3A_88 = arith.muli %scan3A_86, %mul3A_87 : i32
      %get3A = arith.constant 7 : i32
      %get3A_89 = arith.index_cast %get3A : i32 to index
      %get3A_90 = arith.index_cast %mul3A_88 : i32 to index
      %get3A_91 = tpu.vector_load %arg5[%get3A_89, %get3A_90] {strides = array<i32>} : memref<26x512xi32, #tpu.memory_space<vmem>>, vector<16xi32>,
      %add3A_92 = arith.constant 700000 : i32
      %add3A_93 = vector.broadcast %add3A_92 : i32 to vector<16xi32>
      %add3A_94 = arith.addi %get3A_91, %add3A_93 : vector<16xi32>
      %add3A_95 = arith.constant 3584 : i32
      %add3A_96 = arith.addi %add3A_95, %mul3A_88 : i32
      %swap3A = arith.index_cast %add3A_96 : i32 to index
      %swap3A_97 = tpu.vector_load %arg6[%swap3A] {strides = array<i32>} : memref<10240xi32, #tpu.memory_space<vmem>>, vector<16xi32>,
      tpu.vector_store %arg6[%swap3A], %add3A_94 {strides = array<i32>} : memref<10240xi32, #tpu.memory_space<vmem>>, vector<16xi32>,
      %get3A_98 = arith.constant 8 : i32
      %get3A_99 = arith.index_cast %get3A_98 : i32 to index
      %get3A_100 = arith.index_cast %mul3A_88 : i32 to index
      %get3A_101 = tpu.vector_load %arg5[%get3A_99, %get3A_100] {strides = array<i32>} : memref<26x512xi32, #tpu.memory_space<vmem>>, vector<16xi32>,
      %add3A_102 = arith.constant 800000 : i32
      %add3A_103 = vector.broadcast %add3A_102 : i32 to vector<16xi32>
      %add3A_104 = arith.addi %get3A_101, %add3A_103 : vector<16xi32>
      %add3A_105 = arith.constant 4096 : i32
      %add3A_106 = arith.addi %add3A_105, %mul3A_88 : i32
      %swap3A_107 = arith.index_cast %add3A_106 : i32 to index
      %swap3A_108 = tpu.vector_load %arg6[%swap3A_107] {strides = array<i32>} : memref<10240xi32, #tpu.memory_space<vmem>>, vector<16xi32>,
      tpu.vector_store %arg6[%swap3A_107], %add3A_104 {strides = array<i32>} : memref<10240xi32, #tpu.memory_space<vmem>>, vector<16xi32>,
      %get3A_109 = arith.constant 9 : i32
      %get3A_110 = arith.index_cast %get3A_109 : i32 to index
      %get3A_111 = arith.index_cast %mul3A_88 : i32 to index
      %get3A_112 = tpu.vector_load %arg5[%get3A_110, %get3A_111] {strides = array<i32>} : memref<26x512xi32, #tpu.memory_space<vmem>>, vector<16xi32>,
      %add3A_113 = arith.constant 900000 : i32
      %add3A_114 = vector.broadcast %add3A_113 : i32 to vector<16xi32>
      %add3A_115 = arith.addi %get3A_112, %add3A_114 : vector<16xi32>
      %add3A_116 = arith.constant 4608 : i32
      %add3A_117 = arith.addi %add3A_116, %mul3A_88 : i32
      %swap3A_118 = arith.index_cast %add3A_117 : i32 to index
      %swap3A_119 = tpu.vector_load %arg6[%swap3A_118] {strides = array<i32>} : memref<10240xi32, #tpu.memory_space<vmem>>, vector<16xi32>,
      tpu.vector_store %arg6[%swap3A_118], %add3A_115 {strides = array<i32>} : memref<10240xi32, #tpu.memory_space<vmem>>, vector<16xi32>,
      %get3A_120 = arith.constant 10 : i32
      %get3A_121 = arith.index_cast %get3A_120 : i32 to index
      %get3A_122 = arith.index_cast %mul3A_88 : i32 to index
      %get3A_123 = tpu.vector_load %arg5[%get3A_121, %get3A_122] {strides = array<i32>} : memref<26x512xi32, #tpu.memory_space<vmem>>, vector<16xi32>,
      %add3A_124 = arith.constant 1000000 : i32
      %add3A_125 = vector.broadcast %add3A_124 : i32 to vector<16xi32>
      %add3A_126 = arith.addi %get3A_123, %add3A_125 : vector<16xi32>
      %add3A_127 = arith.constant 5120 : i32
      %add3A_128 = arith.addi %add3A_127, %mul3A_88 : i32
      %swap3A_129 = arith.index_cast %add3A_128 : i32 to index
      %swap3A_130 = tpu.vector_load %arg6[%swap3A_129] {strides = array<i32>} : memref<10240xi32, #tpu.memory_space<vmem>>, vector<16xi32>,
      tpu.vector_store %arg6[%swap3A_129], %add3A_126 {strides = array<i32>} : memref<10240xi32, #tpu.memory_space<vmem>>, vector<16xi32>,
      %get3A_131 = arith.constant 11 : i32
      %get3A_132 = arith.index_cast %get3A_131 : i32 to index
      %get3A_133 = arith.index_cast %mul3A_88 : i32 to index
      %get3A_134 = tpu.vector_load %arg5[%get3A_132, %get3A_133] {strides = array<i32>} : memref<26x512xi32, #tpu.memory_space<vmem>>, vector<16xi32>,
      %add3A_135 = arith.constant 1100000 : i32
      %add3A_136 = vector.broadcast %add3A_135 : i32 to vector<16xi32>
      %add3A_137 = arith.addi %get3A_134, %add3A_136 : vector<16xi32>
      %add3A_138 = arith.constant 5632 : i32
      %add3A_139 = arith.addi %add3A_138, %mul3A_88 : i32
      %swap3A_140 = arith.index_cast %add3A_139 : i32 to index
      %swap3A_141 = tpu.vector_load %arg6[%swap3A_140] {strides = array<i32>} : memref<10240xi32, #tpu.memory_space<vmem>>, vector<16xi32>,
      tpu.vector_store %arg6[%swap3A_140], %add3A_137 {strides = array<i32>} : memref<10240xi32, #tpu.memory_space<vmem>>, vector<16xi32>,
      %get3A_142 = arith.constant 12 : i32
      %get3A_143 = arith.index_cast %get3A_142 : i32 to index
      %get3A_144 = arith.index_cast %mul3A_88 : i32 to index
      %get3A_145 = tpu.vector_load %arg5[%get3A_143, %get3A_144] {strides = array<i32>} : memref<26x512xi32, #tpu.memory_space<vmem>>, vector<16xi32>,
      %add3A_146 = arith.constant 1200000 : i32
      %add3A_147 = vector.broadcast %add3A_146 : i32 to vector<16xi32>
      %add3A_148 = arith.addi %get3A_145, %add3A_147 : vector<16xi32>
      %add3A_149 = arith.constant 6144 : i32
      %add3A_150 = arith.addi %add3A_149, %mul3A_88 : i32
      %swap3A_151 = arith.index_cast %add3A_150 : i32 to index
      %swap3A_152 = tpu.vector_load %arg6[%swap3A_151] {strides = array<i32>} : memref<10240xi32, #tpu.memory_space<vmem>>, vector<16xi32>,
      tpu.vector_store %arg6[%swap3A_151], %add3A_148 {strides = array<i32>} : memref<10240xi32, #tpu.memory_space<vmem>>, vector<16xi32>,
      %get3A_153 = arith.constant 13 : i32
      %get3A_154 = arith.index_cast %get3A_153 : i32 to index
      %get3A_155 = arith.index_cast %mul3A_88 : i32 to index
      %get3A_156 = tpu.vector_load %arg5[%get3A_154, %get3A_155] {strides = array<i32>} : memref<26x512xi32, #tpu.memory_space<vmem>>, vector<16xi32>,
      %add3A_157 = arith.constant 1300000 : i32
      %add3A_158 = vector.broadcast %add3A_157 : i32 to vector<16xi32>
      %add3A_159 = arith.addi %get3A_156, %add3A_158 : vector<16xi32>
      %add3A_160 = arith.constant 6656 : i32
      %add3A_161 = arith.addi %add3A_160, %mul3A_88 : i32
      %swap3A_162 = arith.index_cast %add3A_161 : i32 to index
      %swap3A_163 = tpu.vector_load %arg6[%swap3A_162] {strides = array<i32>} : memref<10240xi32, #tpu.memory_space<vmem>>, vector<16xi32>,
      tpu.vector_store %arg6[%swap3A_162], %add3A_159 {strides = array<i32>} : memref<10240xi32, #tpu.memory_space<vmem>>, vector<16xi32>,
    }
    %scan3A_25 = arith.constant 32 : i32
    %dma_start3A_26 = arith.constant 3584 : i32
    %dma_start3A_27 = tpu.memref_slice %arg7[%dma_start3A_26] : memref<10240xf32, #tpu.memory_space<vmem>> -> memref<3584xf32, #tpu.memory_space<vmem>>
    %dma_start3A_28 = arith.constant 3584 : i32
    %dma_start3A_29 = tpu.memref_slice %arg6[%dma_start3A_28] : memref<10240xi32, #tpu.memory_space<vmem>> -> memref<3584xi32, #tpu.memory_space<vmem>>
    %dma_start3A_30 = arith.constant 0 : i32
    %dma_start3A_31 = tpu.memref_slice %arg3[%dma_start3A_30] : memref<2000000xf32, #tpu.memory_space<hbm>> -> memref<2000000xf32, #tpu.memory_space<hbm>>
    tpu.enqueue_indirect_dma source(%dma_start3A_31 : memref<2000000xf32, #tpu.memory_space<hbm>>) target(%dma_start3A_27 : memref<3584xf32, #tpu.memory_space<vmem>>) offsets(%dma_start3A_29 : memref<3584xi32, #tpu.memory_space<vmem>>) semaphore(%arg11 : memref<!tpu.dma_semaphore, #tpu.memory_space<semaphore_mem>>)
    %scan3A_32 = arith.constant 0 : i32
    %scan3A_33 = arith.constant 0 : i32
    %scan3A_34 = arith.constant 32 : i32
    %scan3A_35 = arith.addi %scan3A_33, %scan3A_34 : i32
    %scan3A_36 = arith.constant 1 : i32
    scf.for %scan3A_86 = %scan3A_33 to %scan3A_35 step %scan3A_36  : i32 {
      %mul3A_87 = arith.constant 16 : i32
      %mul3A_88 = arith.muli %scan3A_86, %mul3A_87 : i32
      %get3A = arith.constant 14 : i32
      %get3A_89 = arith.index_cast %get3A : i32 to index
      %get3A_90 = arith.index_cast %mul3A_88 : i32 to index
      %get3A_91 = tpu.vector_load %arg5[%get3A_89, %get3A_90] {strides = array<i32>} : memref<26x512xi32, #tpu.memory_space<vmem>>, vector<16xi32>,
      %add3A_92 = arith.constant 1400000 : i32
      %add3A_93 = vector.broadcast %add3A_92 : i32 to vector<16xi32>
      %add3A_94 = arith.addi %get3A_91, %add3A_93 : vector<16xi32>
      %add3A_95 = arith.constant 7168 : i32
      %add3A_96 = arith.addi %add3A_95, %mul3A_88 : i32
      %swap3A = arith.index_cast %add3A_96 : i32 to index
      %swap3A_97 = tpu.vector_load %arg6[%swap3A] {strides = array<i32>} : memref<10240xi32, #tpu.memory_space<vmem>>, vector<16xi32>,
      tpu.vector_store %arg6[%swap3A], %add3A_94 {strides = array<i32>} : memref<10240xi32, #tpu.memory_space<vmem>>, vector<16xi32>,
      %get3A_98 = arith.constant 15 : i32
      %get3A_99 = arith.index_cast %get3A_98 : i32 to index
      %get3A_100 = arith.index_cast %mul3A_88 : i32 to index
      %get3A_101 = tpu.vector_load %arg5[%get3A_99, %get3A_100] {strides = array<i32>} : memref<26x512xi32, #tpu.memory_space<vmem>>, vector<16xi32>,
      %add3A_102 = arith.constant 1500000 : i32
      %add3A_103 = vector.broadcast %add3A_102 : i32 to vector<16xi32>
      %add3A_104 = arith.addi %get3A_101, %add3A_103 : vector<16xi32>
      %add3A_105 = arith.constant 7680 : i32
      %add3A_106 = arith.addi %add3A_105, %mul3A_88 : i32
      %swap3A_107 = arith.index_cast %add3A_106 : i32 to index
      %swap3A_108 = tpu.vector_load %arg6[%swap3A_107] {strides = array<i32>} : memref<10240xi32, #tpu.memory_space<vmem>>, vector<16xi32>,
      tpu.vector_store %arg6[%swap3A_107], %add3A_104 {strides = array<i32>} : memref<10240xi32, #tpu.memory_space<vmem>>, vector<16xi32>,
      %get3A_109 = arith.constant 16 : i32
      %get3A_110 = arith.index_cast %get3A_109 : i32 to index
      %get3A_111 = arith.index_cast %mul3A_88 : i32 to index
      %get3A_112 = tpu.vector_load %arg5[%get3A_110, %get3A_111] {strides = array<i32>} : memref<26x512xi32, #tpu.memory_space<vmem>>, vector<16xi32>,
      %add3A_113 = arith.constant 1600000 : i32
      %add3A_114 = vector.broadcast %add3A_113 : i32 to vector<16xi32>
      %add3A_115 = arith.addi %get3A_112, %add3A_114 : vector<16xi32>
      %add3A_116 = arith.constant 8192 : i32
      %add3A_117 = arith.addi %add3A_116, %mul3A_88 : i32
      %swap3A_118 = arith.index_cast %add3A_117 : i32 to index
      %swap3A_119 = tpu.vector_load %arg6[%swap3A_118] {strides = array<i32>} : memref<10240xi32, #tpu.memory_space<vmem>>, vector<16xi32>,
      tpu.vector_store %arg6[%swap3A_118], %add3A_115 {strides = array<i32>} : memref<10240xi32, #tpu.memory_space<vmem>>, vector<16xi32>,
      %get3A_120 = arith.constant 17 : i32
      %get3A_121 = arith.index_cast %get3A_120 : i32 to index
      %get3A_122 = arith.index_cast %mul3A_88 : i32 to index
      %get3A_123 = tpu.vector_load %arg5[%get3A_121, %get3A_122] {strides = array<i32>} : memref<26x512xi32, #tpu.memory_space<vmem>>, vector<16xi32>,
      %add3A_124 = arith.constant 1700000 : i32
      %add3A_125 = vector.broadcast %add3A_124 : i32 to vector<16xi32>
      %add3A_126 = arith.addi %get3A_123, %add3A_125 : vector<16xi32>
      %add3A_127 = arith.constant 8704 : i32
      %add3A_128 = arith.addi %add3A_127, %mul3A_88 : i32
      %swap3A_129 = arith.index_cast %add3A_128 : i32 to index
      %swap3A_130 = tpu.vector_load %arg6[%swap3A_129] {strides = array<i32>} : memref<10240xi32, #tpu.memory_space<vmem>>, vector<16xi32>,
      tpu.vector_store %arg6[%swap3A_129], %add3A_126 {strides = array<i32>} : memref<10240xi32, #tpu.memory_space<vmem>>, vector<16xi32>,
      %get3A_131 = arith.constant 18 : i32
      %get3A_132 = arith.index_cast %get3A_131 : i32 to index
      %get3A_133 = arith.index_cast %mul3A_88 : i32 to index
      %get3A_134 = tpu.vector_load %arg5[%get3A_132, %get3A_133] {strides = array<i32>} : memref<26x512xi32, #tpu.memory_space<vmem>>, vector<16xi32>,
      %add3A_135 = arith.constant 1800000 : i32
      %add3A_136 = vector.broadcast %add3A_135 : i32 to vector<16xi32>
      %add3A_137 = arith.addi %get3A_134, %add3A_136 : vector<16xi32>
      %add3A_138 = arith.constant 9216 : i32
      %add3A_139 = arith.addi %add3A_138, %mul3A_88 : i32
      %swap3A_140 = arith.index_cast %add3A_139 : i32 to index
      %swap3A_141 = tpu.vector_load %arg6[%swap3A_140] {strides = array<i32>} : memref<10240xi32, #tpu.memory_space<vmem>>, vector<16xi32>,
      tpu.vector_store %arg6[%swap3A_140], %add3A_137 {strides = array<i32>} : memref<10240xi32, #tpu.memory_space<vmem>>, vector<16xi32>,
      %get3A_142 = arith.constant 19 : i32
      %get3A_143 = arith.index_cast %get3A_142 : i32 to index
      %get3A_144 = arith.index_cast %mul3A_88 : i32 to index
      %get3A_145 = tpu.vector_load %arg5[%get3A_143, %get3A_144] {strides = array<i32>} : memref<26x512xi32, #tpu.memory_space<vmem>>, vector<16xi32>,
      %add3A_146 = arith.constant 1900000 : i32
      %add3A_147 = vector.broadcast %add3A_146 : i32 to vector<16xi32>
      %add3A_148 = arith.addi %get3A_145, %add3A_147 : vector<16xi32>
      %add3A_149 = arith.constant 9728 : i32
      %add3A_150 = arith.addi %add3A_149, %mul3A_88 : i32
      %swap3A_151 = arith.index_cast %add3A_150 : i32 to index
      %swap3A_152 = tpu.vector_load %arg6[%swap3A_151] {strides = array<i32>} : memref<10240xi32, #tpu.memory_space<vmem>>, vector<16xi32>,
      tpu.vector_store %arg6[%swap3A_151], %add3A_148 {strides = array<i32>} : memref<10240xi32, #tpu.memory_space<vmem>>, vector<16xi32>,
    }
    %scan3A_37 = arith.constant 32 : i32
    %dma_start3A_38 = arith.constant 7168 : i32
    %dma_start3A_39 = tpu.memref_slice %arg7[%dma_start3A_38] : memref<10240xf32, #tpu.memory_space<vmem>> -> memref<3072xf32, #tpu.memory_space<vmem>>
    %dma_start3A_40 = arith.constant 7168 : i32
    %dma_start3A_41 = tpu.memref_slice %arg6[%dma_start3A_40] : memref<10240xi32, #tpu.memory_space<vmem>> -> memref<3072xi32, #tpu.memory_space<vmem>>
    %dma_start3A_42 = arith.constant 0 : i32
    %dma_start3A_43 = tpu.memref_slice %arg3[%dma_start3A_42] : memref<2000000xf32, #tpu.memory_space<hbm>> -> memref<2000000xf32, #tpu.memory_space<hbm>>
    tpu.enqueue_indirect_dma source(%dma_start3A_43 : memref<2000000xf32, #tpu.memory_space<hbm>>) target(%dma_start3A_39 : memref<3072xf32, #tpu.memory_space<vmem>>) offsets(%dma_start3A_41 : memref<3072xi32, #tpu.memory_space<vmem>>) semaphore(%arg12 : memref<!tpu.dma_semaphore, #tpu.memory_space<semaphore_mem>>)
    %scan3A_44 = arith.constant 0 : i32
    %scan3A_45 = arith.constant 0 : i32
    %scan3A_46 = arith.constant 32 : i32
    %scan3A_47 = arith.addi %scan3A_45, %scan3A_46 : i32
    %scan3A_48 = arith.constant 1 : i32
    scf.for %scan3A_86 = %scan3A_45 to %scan3A_47 step %scan3A_48  : i32 {
      %broadcast_in_dim3A = arith.constant 0.000000e+00 : f32
      %broadcast_in_dim3A_87 = vector.broadcast %broadcast_in_dim3A : f32 to vector<16xf32>
      %mul3A_88 = arith.constant 16 : i32
      %mul3A_89 = arith.muli %scan3A_86, %mul3A_88 : i32
      %swap3A = arith.index_cast %mul3A_89 : i32 to index
      %swap3A_90 = tpu.vector_load %arg8[%swap3A] {strides = array<i32>} : memref<512xf32, #tpu.memory_space<vmem>>, vector<16xf32>,
      tpu.vector_store %arg8[%swap3A], %broadcast_in_dim3A_87 {strides = array<i32>} : memref<512xf32, #tpu.memory_space<vmem>>, vector<16xf32>,
    }
    %scan3A_49 = arith.constant 32 : i32
    %dma_wait3A_50 = arith.constant 0 : i32
    %dma_wait3A_51 = tpu.memref_slice %arg7[%dma_wait3A_50] : memref<10240xf32, #tpu.memory_space<vmem>> -> memref<3584xf32, #tpu.memory_space<vmem>>
    %dma_wait3A_52 = arith.constant 0 : i32
    %dma_wait3A_53 = tpu.memref_slice %arg6[%dma_wait3A_52] : memref<10240xi32, #tpu.memory_space<vmem>> -> memref<3584xi32, #tpu.memory_space<vmem>>
    %dma_wait3A_54 = arith.constant 0 : i32
    %dma_wait3A_55 = tpu.memref_slice %arg3[%dma_wait3A_54] : memref<2000000xf32, #tpu.memory_space<hbm>> -> memref<2000000xf32, #tpu.memory_space<hbm>>
    tpu.wait_indirect_dma semaphore(%arg10 : memref<!tpu.dma_semaphore, #tpu.memory_space<semaphore_mem>>) src(%dma_wait3A_55 : memref<2000000xf32, #tpu.memory_space<hbm>>) dst(%dma_wait3A_51 : memref<3584xf32, #tpu.memory_space<vmem>>)
    %scan3A_56 = arith.constant 0 : i32
    %scan3A_57 = arith.constant 0 : i32
    %scan3A_58 = arith.constant 32 : i32
    %scan3A_59 = arith.addi %scan3A_57, %scan3A_58 : i32
    %scan3A_60 = arith.constant 1 : i32
    scf.for %scan3A_86 = %scan3A_57 to %scan3A_59 step %scan3A_60  : i32 {
      %mul3A_87 = arith.constant 16 : i32
      %mul3A_88 = arith.muli %scan3A_86, %mul3A_87 : i32
      %get3A = arith.index_cast %mul3A_88 : i32 to index
      %get3A_89 = tpu.vector_load %arg8[%get3A] {strides = array<i32>} : memref<512xf32, #tpu.memory_space<vmem>>, vector<16xf32>,
      %add3A_90 = arith.constant 0 : i32
      %add3A_91 = arith.addi %add3A_90, %mul3A_88 : i32
      %get3A_92 = arith.index_cast %add3A_91 : i32 to index
      %get3A_93 = tpu.vector_load %arg7[%get3A_92] {strides = array<i32>} : memref<10240xf32, #tpu.memory_space<vmem>>, vector<16xf32>,
      %add3A_94 = arith.addf %get3A_89, %get3A_93 : vector<16xf32>
      %add3A_95 = arith.constant 512 : i32
      %add3A_96 = arith.addi %add3A_95, %mul3A_88 : i32
      %get3A_97 = arith.index_cast %add3A_96 : i32 to index
      %get3A_98 = tpu.vector_load %arg7[%get3A_97] {strides = array<i32>} : memref<10240xf32, #tpu.memory_space<vmem>>, vector<16xf32>,
      %add3A_99 = arith.addf %add3A_94, %get3A_98 : vector<16xf32>
      %add3A_100 = arith.constant 1024 : i32
      %add3A_101 = arith.addi %add3A_100, %mul3A_88 : i32
      %get3A_102 = arith.index_cast %add3A_101 : i32 to index
      %get3A_103 = tpu.vector_load %arg7[%get3A_102] {strides = array<i32>} : memref<10240xf32, #tpu.memory_space<vmem>>, vector<16xf32>,
      %add3A_104 = arith.addf %add3A_99, %get3A_103 : vector<16xf32>
      %add3A_105 = arith.constant 1536 : i32
      %add3A_106 = arith.addi %add3A_105, %mul3A_88 : i32
      %get3A_107 = arith.index_cast %add3A_106 : i32 to index
      %get3A_108 = tpu.vector_load %arg7[%get3A_107] {strides = array<i32>} : memref<10240xf32, #tpu.memory_space<vmem>>, vector<16xf32>,
      %add3A_109 = arith.addf %add3A_104, %get3A_108 : vector<16xf32>
      %add3A_110 = arith.constant 2048 : i32
      %add3A_111 = arith.addi %add3A_110, %mul3A_88 : i32
      %get3A_112 = arith.index_cast %add3A_111 : i32 to index
      %get3A_113 = tpu.vector_load %arg7[%get3A_112] {strides = array<i32>} : memref<10240xf32, #tpu.memory_space<vmem>>, vector<16xf32>,
      %add3A_114 = arith.addf %add3A_109, %get3A_113 : vector<16xf32>
      %add3A_115 = arith.constant 2560 : i32
      %add3A_116 = arith.addi %add3A_115, %mul3A_88 : i32
      %get3A_117 = arith.index_cast %add3A_116 : i32 to index
      %get3A_118 = tpu.vector_load %arg7[%get3A_117] {strides = array<i32>} : memref<10240xf32, #tpu.memory_space<vmem>>, vector<16xf32>,
      %add3A_119 = arith.addf %add3A_114, %get3A_118 : vector<16xf32>
      %add3A_120 = arith.constant 3072 : i32
      %add3A_121 = arith.addi %add3A_120, %mul3A_88 : i32
      %get3A_122 = arith.index_cast %add3A_121 : i32 to index
      %get3A_123 = tpu.vector_load %arg7[%get3A_122] {strides = array<i32>} : memref<10240xf32, #tpu.memory_space<vmem>>, vector<16xf32>,
      %add3A_124 = arith.addf %add3A_119, %get3A_123 : vector<16xf32>
      %swap3A = arith.index_cast %mul3A_88 : i32 to index
      %swap3A_125 = tpu.vector_load %arg8[%swap3A] {strides = array<i32>} : memref<512xf32, #tpu.memory_space<vmem>>, vector<16xf32>,
      tpu.vector_store %arg8[%swap3A], %add3A_124 {strides = array<i32>} : memref<512xf32, #tpu.memory_space<vmem>>, vector<16xf32>,
    }
    %scan3A_61 = arith.constant 32 : i32
    %dma_wait3A_62 = arith.constant 3584 : i32
    %dma_wait3A_63 = tpu.memref_slice %arg7[%dma_wait3A_62] : memref<10240xf32, #tpu.memory_space<vmem>> -> memref<3584xf32, #tpu.memory_space<vmem>>
    %dma_wait3A_64 = arith.constant 3584 : i32
    %dma_wait3A_65 = tpu.memref_slice %arg6[%dma_wait3A_64] : memref<10240xi32, #tpu.memory_space<vmem>> -> memref<3584xi32, #tpu.memory_space<vmem>>
    %dma_wait3A_66 = arith.constant 0 : i32
    %dma_wait3A_67 = tpu.memref_slice %arg3[%dma_wait3A_66] : memref<2000000xf32, #tpu.memory_space<hbm>> -> memref<2000000xf32, #tpu.memory_space<hbm>>
    tpu.wait_indirect_dma semaphore(%arg11 : memref<!tpu.dma_semaphore, #tpu.memory_space<semaphore_mem>>) src(%dma_wait3A_67 : memref<2000000xf32, #tpu.memory_space<hbm>>) dst(%dma_wait3A_63 : memref<3584xf32, #tpu.memory_space<vmem>>)
    %scan3A_68 = arith.constant 0 : i32
    %scan3A_69 = arith.constant 0 : i32
    %scan3A_70 = arith.constant 32 : i32
    %scan3A_71 = arith.addi %scan3A_69, %scan3A_70 : i32
    %scan3A_72 = arith.constant 1 : i32
    scf.for %scan3A_86 = %scan3A_69 to %scan3A_71 step %scan3A_72  : i32 {
      %mul3A_87 = arith.constant 16 : i32
      %mul3A_88 = arith.muli %scan3A_86, %mul3A_87 : i32
      %get3A = arith.index_cast %mul3A_88 : i32 to index
      %get3A_89 = tpu.vector_load %arg8[%get3A] {strides = array<i32>} : memref<512xf32, #tpu.memory_space<vmem>>, vector<16xf32>,
      %add3A_90 = arith.constant 3584 : i32
      %add3A_91 = arith.addi %add3A_90, %mul3A_88 : i32
      %get3A_92 = arith.index_cast %add3A_91 : i32 to index
      %get3A_93 = tpu.vector_load %arg7[%get3A_92] {strides = array<i32>} : memref<10240xf32, #tpu.memory_space<vmem>>, vector<16xf32>,
      %add3A_94 = arith.addf %get3A_89, %get3A_93 : vector<16xf32>
      %add3A_95 = arith.constant 4096 : i32
      %add3A_96 = arith.addi %add3A_95, %mul3A_88 : i32
      %get3A_97 = arith.index_cast %add3A_96 : i32 to index
      %get3A_98 = tpu.vector_load %arg7[%get3A_97] {strides = array<i32>} : memref<10240xf32, #tpu.memory_space<vmem>>, vector<16xf32>,
      %add3A_99 = arith.addf %add3A_94, %get3A_98 : vector<16xf32>
      %add3A_100 = arith.constant 4608 : i32
      %add3A_101 = arith.addi %add3A_100, %mul3A_88 : i32
      %get3A_102 = arith.index_cast %add3A_101 : i32 to index
      %get3A_103 = tpu.vector_load %arg7[%get3A_102] {strides = array<i32>} : memref<10240xf32, #tpu.memory_space<vmem>>, vector<16xf32>,
      %add3A_104 = arith.addf %add3A_99, %get3A_103 : vector<16xf32>
      %add3A_105 = arith.constant 5120 : i32
      %add3A_106 = arith.addi %add3A_105, %mul3A_88 : i32
      %get3A_107 = arith.index_cast %add3A_106 : i32 to index
      %get3A_108 = tpu.vector_load %arg7[%get3A_107] {strides = array<i32>} : memref<10240xf32, #tpu.memory_space<vmem>>, vector<16xf32>,
      %add3A_109 = arith.addf %add3A_104, %get3A_108 : vector<16xf32>
      %add3A_110 = arith.constant 5632 : i32
      %add3A_111 = arith.addi %add3A_110, %mul3A_88 : i32
      %get3A_112 = arith.index_cast %add3A_111 : i32 to index
      %get3A_113 = tpu.vector_load %arg7[%get3A_112] {strides = array<i32>} : memref<10240xf32, #tpu.memory_space<vmem>>, vector<16xf32>,
      %add3A_114 = arith.addf %add3A_109, %get3A_113 : vector<16xf32>
      %add3A_115 = arith.constant 6144 : i32
      %add3A_116 = arith.addi %add3A_115, %mul3A_88 : i32
      %get3A_117 = arith.index_cast %add3A_116 : i32 to index
      %get3A_118 = tpu.vector_load %arg7[%get3A_117] {strides = array<i32>} : memref<10240xf32, #tpu.memory_space<vmem>>, vector<16xf32>,
      %add3A_119 = arith.addf %add3A_114, %get3A_118 : vector<16xf32>
      %add3A_120 = arith.constant 6656 : i32
      %add3A_121 = arith.addi %add3A_120, %mul3A_88 : i32
      %get3A_122 = arith.index_cast %add3A_121 : i32 to index
      %get3A_123 = tpu.vector_load %arg7[%get3A_122] {strides = array<i32>} : memref<10240xf32, #tpu.memory_space<vmem>>, vector<16xf32>,
      %add3A_124 = arith.addf %add3A_119, %get3A_123 : vector<16xf32>
      %swap3A = arith.index_cast %mul3A_88 : i32 to index
      %swap3A_125 = tpu.vector_load %arg8[%swap3A] {strides = array<i32>} : memref<512xf32, #tpu.memory_space<vmem>>, vector<16xf32>,
      tpu.vector_store %arg8[%swap3A], %add3A_124 {strides = array<i32>} : memref<512xf32, #tpu.memory_space<vmem>>, vector<16xf32>,
    }
    %scan3A_73 = arith.constant 32 : i32
    %dma_wait3A_74 = arith.constant 7168 : i32
    %dma_wait3A_75 = tpu.memref_slice %arg7[%dma_wait3A_74] : memref<10240xf32, #tpu.memory_space<vmem>> -> memref<3072xf32, #tpu.memory_space<vmem>>
    %dma_wait3A_76 = arith.constant 7168 : i32
    %dma_wait3A_77 = tpu.memref_slice %arg6[%dma_wait3A_76] : memref<10240xi32, #tpu.memory_space<vmem>> -> memref<3072xi32, #tpu.memory_space<vmem>>
    %dma_wait3A_78 = arith.constant 0 : i32
    %dma_wait3A_79 = tpu.memref_slice %arg3[%dma_wait3A_78] : memref<2000000xf32, #tpu.memory_space<hbm>> -> memref<2000000xf32, #tpu.memory_space<hbm>>
    tpu.wait_indirect_dma semaphore(%arg12 : memref<!tpu.dma_semaphore, #tpu.memory_space<semaphore_mem>>) src(%dma_wait3A_79 : memref<2000000xf32, #tpu.memory_space<hbm>>) dst(%dma_wait3A_75 : memref<3072xf32, #tpu.memory_space<vmem>>)
    %scan3A_80 = arith.constant 0 : i32
    %scan3A_81 = arith.constant 0 : i32
    %scan3A_82 = arith.constant 32 : i32
    %scan3A_83 = arith.addi %scan3A_81, %scan3A_82 : i32
    %scan3A_84 = arith.constant 1 : i32
    scf.for %scan3A_86 = %scan3A_81 to %scan3A_83 step %scan3A_84  : i32 {
      %mul3A_87 = arith.constant 16 : i32
      %mul3A_88 = arith.muli %scan3A_86, %mul3A_87 : i32
      %get3A = arith.index_cast %mul3A_88 : i32 to index
      %get3A_89 = tpu.vector_load %arg8[%get3A] {strides = array<i32>} : memref<512xf32, #tpu.memory_space<vmem>>, vector<16xf32>,
      %add3A_90 = arith.constant 7168 : i32
      %add3A_91 = arith.addi %add3A_90, %mul3A_88 : i32
      %get3A_92 = arith.index_cast %add3A_91 : i32 to index
      %get3A_93 = tpu.vector_load %arg7[%get3A_92] {strides = array<i32>} : memref<10240xf32, #tpu.memory_space<vmem>>, vector<16xf32>,
      %add3A_94 = arith.addf %get3A_89, %get3A_93 : vector<16xf32>
      %add3A_95 = arith.constant 7680 : i32
      %add3A_96 = arith.addi %add3A_95, %mul3A_88 : i32
      %get3A_97 = arith.index_cast %add3A_96 : i32 to index
      %get3A_98 = tpu.vector_load %arg7[%get3A_97] {strides = array<i32>} : memref<10240xf32, #tpu.memory_space<vmem>>, vector<16xf32>,
      %add3A_99 = arith.addf %add3A_94, %get3A_98 : vector<16xf32>
      %add3A_100 = arith.constant 8192 : i32
      %add3A_101 = arith.addi %add3A_100, %mul3A_88 : i32
      %get3A_102 = arith.index_cast %add3A_101 : i32 to index
      %get3A_103 = tpu.vector_load %arg7[%get3A_102] {strides = array<i32>} : memref<10240xf32, #tpu.memory_space<vmem>>, vector<16xf32>,
      %add3A_104 = arith.addf %add3A_99, %get3A_103 : vector<16xf32>
      %add3A_105 = arith.constant 8704 : i32
      %add3A_106 = arith.addi %add3A_105, %mul3A_88 : i32
      %get3A_107 = arith.index_cast %add3A_106 : i32 to index
      %get3A_108 = tpu.vector_load %arg7[%get3A_107] {strides = array<i32>} : memref<10240xf32, #tpu.memory_space<vmem>>, vector<16xf32>,
      %add3A_109 = arith.addf %add3A_104, %get3A_108 : vector<16xf32>
      %add3A_110 = arith.constant 9216 : i32
      %add3A_111 = arith.addi %add3A_110, %mul3A_88 : i32
      %get3A_112 = arith.index_cast %add3A_111 : i32 to index
      %get3A_113 = tpu.vector_load %arg7[%get3A_112] {strides = array<i32>} : memref<10240xf32, #tpu.memory_space<vmem>>, vector<16xf32>,
      %add3A_114 = arith.addf %add3A_109, %get3A_113 : vector<16xf32>
      %add3A_115 = arith.constant 9728 : i32
      %add3A_116 = arith.addi %add3A_115, %mul3A_88 : i32
      %get3A_117 = arith.index_cast %add3A_116 : i32 to index
      %get3A_118 = tpu.vector_load %arg7[%get3A_117] {strides = array<i32>} : memref<10240xf32, #tpu.memory_space<vmem>>, vector<16xf32>,
      %add3A_119 = arith.addf %add3A_114, %get3A_118 : vector<16xf32>
      %swap3A = arith.index_cast %mul3A_88 : i32 to index
      %swap3A_120 = tpu.vector_load %arg8[%swap3A] {strides = array<i32>} : memref<512xf32, #tpu.memory_space<vmem>>, vector<16xf32>,
      tpu.vector_store %arg8[%swap3A], %add3A_119 {strides = array<i32>} : memref<512xf32, #tpu.memory_space<vmem>>, vector<16xf32>,
    }
    %scan3A_85 = arith.constant 32 : i32
    "tpu.region"() ({
      %run_scoped3A = tpu.sem_alloc : memref<!tpu.dma_semaphore, #tpu.memory_space<semaphore_mem>>
      %dma_start3A_86 = tpu.memref_slice %arg4[%mul3A_2] : memref<16384xf32, #tpu.memory_space<hbm>> -> memref<512xf32, #tpu.memory_space<hbm>>
      %dma_start3A_87 = tpu.memref_slice %arg4[%mul3A_2] : memref<16384xf32, #tpu.memory_space<hbm>> -> memref<512xf32, #tpu.memory_space<hbm>>
      tpu.enqueue_dma source(%arg8 : memref<512xf32, #tpu.memory_space<vmem>>) target(%dma_start3A_87 : memref<512xf32, #tpu.memory_space<hbm>>) target_semaphore(%run_scoped3A : memref<!tpu.dma_semaphore, #tpu.memory_space<semaphore_mem>>)
      %dma_wait3A_88 = tpu.memref_slice %arg4[%mul3A_2] : memref<16384xf32, #tpu.memory_space<hbm>> -> memref<512xf32, #tpu.memory_space<hbm>>
      %dma_wait3A_89 = tpu.memref_slice %arg4[%mul3A_2] : memref<16384xf32, #tpu.memory_space<hbm>> -> memref<512xf32, #tpu.memory_space<hbm>>
      tpu.wait_dma2 semaphore(%run_scoped3A : memref<!tpu.dma_semaphore, #tpu.memory_space<semaphore_mem>>) src(%arg8 : memref<512xf32, #tpu.memory_space<vmem>>) dst(%dma_wait3A_89 : memref<512xf32, #tpu.memory_space<hbm>>)
      tpu.yield
    }) : () -> ()
    return
  }
}

#map = affine_map<(d0, d1) -> (0, 0)>
#map1 = affine_map<(d0, d1) -> (0)>
module attributes {stable_mosaic.version = 14 : i64} {
  func.func @_sc_b_body(%arg0: i32, %arg1: i32, %arg2: memref<26x16384xi32, #tpu.memory_space<hbm>>, %arg3: memref<13x16384xf32, #tpu.memory_space<hbm>>, %arg4: memref<600000xf32, #tpu.memory_space<hbm>>, %arg5: memref<13xf32, #tpu.memory_space<hbm>>, %arg6: memref<1xf32, #tpu.memory_space<hbm>>, %arg7: memref<1xf32, #tpu.memory_space<hbm>>, %arg8: memref<16384xf32, #tpu.memory_space<hbm>>, %arg9: memref<16384xf32, #tpu.memory_space<hbm>>, %arg10: memref<26x512xi32, #tpu.memory_space<vmem>>, %arg11: memref<3072xi32, #tpu.memory_space<vmem>>, %arg12: memref<3072xf32, #tpu.memory_space<vmem>>, %arg13: memref<13x512xf32, #tpu.memory_space<vmem>>, %arg14: memref<16xf32, #tpu.memory_space<vmem>>, %arg15: memref<16xf32, #tpu.memory_space<vmem>>, %arg16: memref<16xf32, #tpu.memory_space<vmem>>, %arg17: memref<512xf32, #tpu.memory_space<vmem>>, %arg18: memref<512xf32, #tpu.memory_space<vmem>>, %arg19: memref<!tpu.dma_semaphore, #tpu.memory_space<semaphore_mem>>, %arg20: memref<!tpu.dma_semaphore, #tpu.memory_space<semaphore_mem>>, %arg21: memref<!tpu.dma_semaphore, #tpu.memory_space<semaphore_mem>>, %arg22: memref<!tpu.dma_semaphore, #tpu.memory_space<semaphore_mem>>) attributes {dimension_semantics = [#tpu.dimension_semantics<core_parallel>, #tpu.dimension_semantics<subcore_parallel>], iteration_bounds = array<i64: 2, 16>, scalar_prefetch = 0 : i64, scratch_operands = 13 : i64, tpu.core_type = #tpu.core_type<sc_vector_subcore>, window_params = [{transform_indices = #map}, {transform_indices = #map}, {transform_indices = #map1}, {transform_indices = #map1}, {transform_indices = #map1}, {transform_indices = #map1}, {transform_indices = #map1}, {transform_indices = #map1}]} {
    %mul3A = arith.constant 2 : i32
    %mul3A_0 = arith.muli %arg1, %mul3A : i32
    %add3A = arith.addi %mul3A_0, %arg0 : i32
    %mul3A_1 = arith.constant 512 : i32
    %mul3A_2 = arith.muli %add3A, %mul3A_1 : i32
    %dma_start3A = arith.constant 0 : i32
    %dma_start3A_3 = tpu.memref_slice %arg2[%dma_start3A, %mul3A_2] : memref<26x16384xi32, #tpu.memory_space<hbm>> -> memref<26x512xi32, #tpu.memory_space<hbm>>
    %dma_start3A_4 = arith.constant 0 : i32
    %dma_start3A_5 = tpu.memref_slice %arg2[%dma_start3A_4, %mul3A_2] : memref<26x16384xi32, #tpu.memory_space<hbm>> -> memref<26x512xi32, #tpu.memory_space<hbm>>
    tpu.enqueue_dma source(%dma_start3A_5 : memref<26x512xi32, #tpu.memory_space<hbm>>) target(%arg10 : memref<26x512xi32, #tpu.memory_space<vmem>>) target_semaphore(%arg19 : memref<!tpu.dma_semaphore, #tpu.memory_space<semaphore_mem>>)
    %dma_start3A_6 = arith.constant 0 : i32
    %dma_start3A_7 = tpu.memref_slice %arg3[%dma_start3A_6, %mul3A_2] : memref<13x16384xf32, #tpu.memory_space<hbm>> -> memref<13x512xf32, #tpu.memory_space<hbm>>
    %dma_start3A_8 = arith.constant 0 : i32
    %dma_start3A_9 = tpu.memref_slice %arg3[%dma_start3A_8, %mul3A_2] : memref<13x16384xf32, #tpu.memory_space<hbm>> -> memref<13x512xf32, #tpu.memory_space<hbm>>
    tpu.enqueue_dma source(%dma_start3A_9 : memref<13x512xf32, #tpu.memory_space<hbm>>) target(%arg13 : memref<13x512xf32, #tpu.memory_space<vmem>>) target_semaphore(%arg20 : memref<!tpu.dma_semaphore, #tpu.memory_space<semaphore_mem>>)
    %dma_start3A_10 = tpu.memref_slice %arg8[%mul3A_2] : memref<16384xf32, #tpu.memory_space<hbm>> -> memref<512xf32, #tpu.memory_space<hbm>>
    %dma_start3A_11 = tpu.memref_slice %arg8[%mul3A_2] : memref<16384xf32, #tpu.memory_space<hbm>> -> memref<512xf32, #tpu.memory_space<hbm>>
    tpu.enqueue_dma source(%dma_start3A_11 : memref<512xf32, #tpu.memory_space<hbm>>) target(%arg17 : memref<512xf32, #tpu.memory_space<vmem>>) target_semaphore(%arg21 : memref<!tpu.dma_semaphore, #tpu.memory_space<semaphore_mem>>)
    "tpu.region"() ({
      %run_scoped3A = tpu.sem_alloc : memref<!tpu.dma_semaphore, #tpu.memory_space<semaphore_mem>>
      %dma_start3A_84 = arith.constant 0 : i32
      %dma_start3A_85 = tpu.memref_slice %arg14[%dma_start3A_84] : memref<16xf32, #tpu.memory_space<vmem>> -> memref<13xf32, #tpu.memory_space<vmem>>
      %dma_start3A_86 = arith.constant 0 : i32
      %dma_start3A_87 = tpu.memref_slice %arg14[%dma_start3A_86] : memref<16xf32, #tpu.memory_space<vmem>> -> memref<13xf32, #tpu.memory_space<vmem>>
      tpu.enqueue_dma source(%arg5 : memref<13xf32, #tpu.memory_space<hbm>>) target(%dma_start3A_87 : memref<13xf32, #tpu.memory_space<vmem>>) target_semaphore(%run_scoped3A : memref<!tpu.dma_semaphore, #tpu.memory_space<semaphore_mem>>)
      %dma_wait3A_88 = arith.constant 0 : i32
      %dma_wait3A_89 = tpu.memref_slice %arg14[%dma_wait3A_88] : memref<16xf32, #tpu.memory_space<vmem>> -> memref<13xf32, #tpu.memory_space<vmem>>
      %dma_wait3A_90 = arith.constant 0 : i32
      %dma_wait3A_91 = tpu.memref_slice %arg14[%dma_wait3A_90] : memref<16xf32, #tpu.memory_space<vmem>> -> memref<13xf32, #tpu.memory_space<vmem>>
      tpu.wait_dma2 semaphore(%run_scoped3A : memref<!tpu.dma_semaphore, #tpu.memory_space<semaphore_mem>>) src(%arg5 : memref<13xf32, #tpu.memory_space<hbm>>) dst(%dma_wait3A_91 : memref<13xf32, #tpu.memory_space<vmem>>)
      tpu.yield
    }) : () -> ()
    "tpu.region"() ({
      %run_scoped3A = tpu.sem_alloc : memref<!tpu.dma_semaphore, #tpu.memory_space<semaphore_mem>>
      %dma_start3A_84 = arith.constant 0 : i32
      %dma_start3A_85 = tpu.memref_slice %arg15[%dma_start3A_84] : memref<16xf32, #tpu.memory_space<vmem>> -> memref<1xf32, #tpu.memory_space<vmem>>
      %dma_start3A_86 = arith.constant 0 : i32
      %dma_start3A_87 = tpu.memref_slice %arg15[%dma_start3A_86] : memref<16xf32, #tpu.memory_space<vmem>> -> memref<1xf32, #tpu.memory_space<vmem>>
      tpu.enqueue_dma source(%arg6 : memref<1xf32, #tpu.memory_space<hbm>>) target(%dma_start3A_87 : memref<1xf32, #tpu.memory_space<vmem>>) target_semaphore(%run_scoped3A : memref<!tpu.dma_semaphore, #tpu.memory_space<semaphore_mem>>)
      %dma_wait3A_88 = arith.constant 0 : i32
      %dma_wait3A_89 = tpu.memref_slice %arg15[%dma_wait3A_88] : memref<16xf32, #tpu.memory_space<vmem>> -> memref<1xf32, #tpu.memory_space<vmem>>
      %dma_wait3A_90 = arith.constant 0 : i32
      %dma_wait3A_91 = tpu.memref_slice %arg15[%dma_wait3A_90] : memref<16xf32, #tpu.memory_space<vmem>> -> memref<1xf32, #tpu.memory_space<vmem>>
      tpu.wait_dma2 semaphore(%run_scoped3A : memref<!tpu.dma_semaphore, #tpu.memory_space<semaphore_mem>>) src(%arg6 : memref<1xf32, #tpu.memory_space<hbm>>) dst(%dma_wait3A_91 : memref<1xf32, #tpu.memory_space<vmem>>)
      tpu.yield
    }) : () -> ()
    "tpu.region"() ({
      %run_scoped3A = tpu.sem_alloc : memref<!tpu.dma_semaphore, #tpu.memory_space<semaphore_mem>>
      %dma_start3A_84 = arith.constant 0 : i32
      %dma_start3A_85 = tpu.memref_slice %arg16[%dma_start3A_84] : memref<16xf32, #tpu.memory_space<vmem>> -> memref<1xf32, #tpu.memory_space<vmem>>
      %dma_start3A_86 = arith.constant 0 : i32
      %dma_start3A_87 = tpu.memref_slice %arg16[%dma_start3A_86] : memref<16xf32, #tpu.memory_space<vmem>> -> memref<1xf32, #tpu.memory_space<vmem>>
      tpu.enqueue_dma source(%arg7 : memref<1xf32, #tpu.memory_space<hbm>>) target(%dma_start3A_87 : memref<1xf32, #tpu.memory_space<vmem>>) target_semaphore(%run_scoped3A : memref<!tpu.dma_semaphore, #tpu.memory_space<semaphore_mem>>)
      %dma_wait3A_88 = arith.constant 0 : i32
      %dma_wait3A_89 = tpu.memref_slice %arg16[%dma_wait3A_88] : memref<16xf32, #tpu.memory_space<vmem>> -> memref<1xf32, #tpu.memory_space<vmem>>
      %dma_wait3A_90 = arith.constant 0 : i32
      %dma_wait3A_91 = tpu.memref_slice %arg16[%dma_wait3A_90] : memref<16xf32, #tpu.memory_space<vmem>> -> memref<1xf32, #tpu.memory_space<vmem>>
      tpu.wait_dma2 semaphore(%run_scoped3A : memref<!tpu.dma_semaphore, #tpu.memory_space<semaphore_mem>>) src(%arg7 : memref<1xf32, #tpu.memory_space<hbm>>) dst(%dma_wait3A_91 : memref<1xf32, #tpu.memory_space<vmem>>)
      tpu.yield
    }) : () -> ()
    %dma_wait3A = arith.constant 0 : i32
    %dma_wait3A_12 = tpu.memref_slice %arg2[%dma_wait3A, %mul3A_2] : memref<26x16384xi32, #tpu.memory_space<hbm>> -> memref<26x512xi32, #tpu.memory_space<hbm>>
    %dma_wait3A_13 = arith.constant 0 : i32
    %dma_wait3A_14 = tpu.memref_slice %arg2[%dma_wait3A_13, %mul3A_2] : memref<26x16384xi32, #tpu.memory_space<hbm>> -> memref<26x512xi32, #tpu.memory_space<hbm>>
    tpu.wait_dma2 semaphore(%arg19 : memref<!tpu.dma_semaphore, #tpu.memory_space<semaphore_mem>>) src(%dma_wait3A_14 : memref<26x512xi32, #tpu.memory_space<hbm>>) dst(%arg10 : memref<26x512xi32, #tpu.memory_space<vmem>>)
    %get3A = arith.constant 0 : index
    %get3A_15 = tpu.vector_load %arg15[%get3A] {strides = array<i32>} : memref<16xf32, #tpu.memory_space<vmem>>, vector<16xf32>,
    %get3A_16 = arith.constant 0 : index
    %get3A_17 = tpu.vector_load %arg16[%get3A_16] {strides = array<i32>} : memref<16xf32, #tpu.memory_space<vmem>>, vector<16xf32>,
    %get3A_18 = arith.constant 0 : index
    %get3A_19 = tpu.vector_load %arg14[%get3A_18] {strides = array<i32>} : memref<16xf32, #tpu.memory_space<vmem>>, vector<16xf32>,
    %slice3A = vector.extract_strided_slice %get3A_15 {offsets = [0], sizes = [1], strides = [1]} : vector<16xf32> to vector<1xf32>
    %squeeze3A = vector.extract %slice3A[0] : f32 from vector<1xf32>
    %slice3A_20 = vector.extract_strided_slice %get3A_17 {offsets = [0], sizes = [1], strides = [1]} : vector<16xf32> to vector<1xf32>
    %squeeze3A_21 = vector.extract %slice3A_20[0] : f32 from vector<1xf32>
    %add3A_22 = arith.addf %squeeze3A, %squeeze3A_21 : f32
    %slice3A_23 = vector.extract_strided_slice %get3A_19 {offsets = [0], sizes = [1], strides = [1]} : vector<16xf32> to vector<1xf32>
    %squeeze3A_24 = vector.extract %slice3A_23[0] : f32 from vector<1xf32>
    %slice3A_25 = vector.extract_strided_slice %get3A_19 {offsets = [1], sizes = [1], strides = [1]} : vector<16xf32> to vector<1xf32>
    %squeeze3A_26 = vector.extract %slice3A_25[0] : f32 from vector<1xf32>
    %slice3A_27 = vector.extract_strided_slice %get3A_19 {offsets = [2], sizes = [1], strides = [1]} : vector<16xf32> to vector<1xf32>
    %squeeze3A_28 = vector.extract %slice3A_27[0] : f32 from vector<1xf32>
    %slice3A_29 = vector.extract_strided_slice %get3A_19 {offsets = [3], sizes = [1], strides = [1]} : vector<16xf32> to vector<1xf32>
    %squeeze3A_30 = vector.extract %slice3A_29[0] : f32 from vector<1xf32>
    %slice3A_31 = vector.extract_strided_slice %get3A_19 {offsets = [4], sizes = [1], strides = [1]} : vector<16xf32> to vector<1xf32>
    %squeeze3A_32 = vector.extract %slice3A_31[0] : f32 from vector<1xf32>
    %slice3A_33 = vector.extract_strided_slice %get3A_19 {offsets = [5], sizes = [1], strides = [1]} : vector<16xf32> to vector<1xf32>
    %squeeze3A_34 = vector.extract %slice3A_33[0] : f32 from vector<1xf32>
    %slice3A_35 = vector.extract_strided_slice %get3A_19 {offsets = [6], sizes = [1], strides = [1]} : vector<16xf32> to vector<1xf32>
    %squeeze3A_36 = vector.extract %slice3A_35[0] : f32 from vector<1xf32>
    %slice3A_37 = vector.extract_strided_slice %get3A_19 {offsets = [7], sizes = [1], strides = [1]} : vector<16xf32> to vector<1xf32>
    %squeeze3A_38 = vector.extract %slice3A_37[0] : f32 from vector<1xf32>
    %slice3A_39 = vector.extract_strided_slice %get3A_19 {offsets = [8], sizes = [1], strides = [1]} : vector<16xf32> to vector<1xf32>
    %squeeze3A_40 = vector.extract %slice3A_39[0] : f32 from vector<1xf32>
    %slice3A_41 = vector.extract_strided_slice %get3A_19 {offsets = [9], sizes = [1], strides = [1]} : vector<16xf32> to vector<1xf32>
    %squeeze3A_42 = vector.extract %slice3A_41[0] : f32 from vector<1xf32>
    %slice3A_43 = vector.extract_strided_slice %get3A_19 {offsets = [10], sizes = [1], strides = [1]} : vector<16xf32> to vector<1xf32>
    %squeeze3A_44 = vector.extract %slice3A_43[0] : f32 from vector<1xf32>
    %slice3A_45 = vector.extract_strided_slice %get3A_19 {offsets = [11], sizes = [1], strides = [1]} : vector<16xf32> to vector<1xf32>
    %squeeze3A_46 = vector.extract %slice3A_45[0] : f32 from vector<1xf32>
    %slice3A_47 = vector.extract_strided_slice %get3A_19 {offsets = [12], sizes = [1], strides = [1]} : vector<16xf32> to vector<1xf32>
    %squeeze3A_48 = vector.extract %slice3A_47[0] : f32 from vector<1xf32>
    %scan3A = arith.constant 0 : i32
    %scan3A_49 = arith.constant 0 : i32
    %scan3A_50 = arith.constant 32 : i32
    %scan3A_51 = arith.addi %scan3A_49, %scan3A_50 : i32
    %scan3A_52 = arith.constant 1 : i32
    scf.for %scan3A_84 = %scan3A_49 to %scan3A_51 step %scan3A_52  : i32 {
      %mul3A_85 = arith.constant 16 : i32
      %mul3A_86 = arith.muli %scan3A_84, %mul3A_85 : i32
      %get3A_87 = arith.constant 20 : i32
      %get3A_88 = arith.index_cast %get3A_87 : i32 to index
      %get3A_89 = arith.index_cast %mul3A_86 : i32 to index
      %get3A_90 = tpu.vector_load %arg10[%get3A_88, %get3A_89] {strides = array<i32>} : memref<26x512xi32, #tpu.memory_space<vmem>>, vector<16xi32>,
      %add3A_91 = arith.constant 0 : i32
      %add3A_92 = vector.broadcast %add3A_91 : i32 to vector<16xi32>
      %add3A_93 = arith.addi %get3A_90, %add3A_92 : vector<16xi32>
      %add3A_94 = arith.constant 0 : i32
      %add3A_95 = arith.addi %add3A_94, %mul3A_86 : i32
      %swap3A = arith.index_cast %add3A_95 : i32 to index
      %swap3A_96 = tpu.vector_load %arg11[%swap3A] {strides = array<i32>} : memref<3072xi32, #tpu.memory_space<vmem>>, vector<16xi32>,
      tpu.vector_store %arg11[%swap3A], %add3A_93 {strides = array<i32>} : memref<3072xi32, #tpu.memory_space<vmem>>, vector<16xi32>,
      %get3A_97 = arith.constant 21 : i32
      %get3A_98 = arith.index_cast %get3A_97 : i32 to index
      %get3A_99 = arith.index_cast %mul3A_86 : i32 to index
      %get3A_100 = tpu.vector_load %arg10[%get3A_98, %get3A_99] {strides = array<i32>} : memref<26x512xi32, #tpu.memory_space<vmem>>, vector<16xi32>,
      %add3A_101 = arith.constant 100000 : i32
      %add3A_102 = vector.broadcast %add3A_101 : i32 to vector<16xi32>
      %add3A_103 = arith.addi %get3A_100, %add3A_102 : vector<16xi32>
      %add3A_104 = arith.constant 512 : i32
      %add3A_105 = arith.addi %add3A_104, %mul3A_86 : i32
      %swap3A_106 = arith.index_cast %add3A_105 : i32 to index
      %swap3A_107 = tpu.vector_load %arg11[%swap3A_106] {strides = array<i32>} : memref<3072xi32, #tpu.memory_space<vmem>>, vector<16xi32>,
      tpu.vector_store %arg11[%swap3A_106], %add3A_103 {strides = array<i32>} : memref<3072xi32, #tpu.memory_space<vmem>>, vector<16xi32>,
      %get3A_108 = arith.constant 22 : i32
      %get3A_109 = arith.index_cast %get3A_108 : i32 to index
      %get3A_110 = arith.index_cast %mul3A_86 : i32 to index
      %get3A_111 = tpu.vector_load %arg10[%get3A_109, %get3A_110] {strides = array<i32>} : memref<26x512xi32, #tpu.memory_space<vmem>>, vector<16xi32>,
      %add3A_112 = arith.constant 200000 : i32
      %add3A_113 = vector.broadcast %add3A_112 : i32 to vector<16xi32>
      %add3A_114 = arith.addi %get3A_111, %add3A_113 : vector<16xi32>
      %add3A_115 = arith.constant 1024 : i32
      %add3A_116 = arith.addi %add3A_115, %mul3A_86 : i32
      %swap3A_117 = arith.index_cast %add3A_116 : i32 to index
      %swap3A_118 = tpu.vector_load %arg11[%swap3A_117] {strides = array<i32>} : memref<3072xi32, #tpu.memory_space<vmem>>, vector<16xi32>,
      tpu.vector_store %arg11[%swap3A_117], %add3A_114 {strides = array<i32>} : memref<3072xi32, #tpu.memory_space<vmem>>, vector<16xi32>,
      %get3A_119 = arith.constant 23 : i32
      %get3A_120 = arith.index_cast %get3A_119 : i32 to index
      %get3A_121 = arith.index_cast %mul3A_86 : i32 to index
      %get3A_122 = tpu.vector_load %arg10[%get3A_120, %get3A_121] {strides = array<i32>} : memref<26x512xi32, #tpu.memory_space<vmem>>, vector<16xi32>,
      %add3A_123 = arith.constant 300000 : i32
      %add3A_124 = vector.broadcast %add3A_123 : i32 to vector<16xi32>
      %add3A_125 = arith.addi %get3A_122, %add3A_124 : vector<16xi32>
      %add3A_126 = arith.constant 1536 : i32
      %add3A_127 = arith.addi %add3A_126, %mul3A_86 : i32
      %swap3A_128 = arith.index_cast %add3A_127 : i32 to index
      %swap3A_129 = tpu.vector_load %arg11[%swap3A_128] {strides = array<i32>} : memref<3072xi32, #tpu.memory_space<vmem>>, vector<16xi32>,
      tpu.vector_store %arg11[%swap3A_128], %add3A_125 {strides = array<i32>} : memref<3072xi32, #tpu.memory_space<vmem>>, vector<16xi32>,
      %get3A_130 = arith.constant 24 : i32
      %get3A_131 = arith.index_cast %get3A_130 : i32 to index
      %get3A_132 = arith.index_cast %mul3A_86 : i32 to index
      %get3A_133 = tpu.vector_load %arg10[%get3A_131, %get3A_132] {strides = array<i32>} : memref<26x512xi32, #tpu.memory_space<vmem>>, vector<16xi32>,
      %add3A_134 = arith.constant 400000 : i32
      %add3A_135 = vector.broadcast %add3A_134 : i32 to vector<16xi32>
      %add3A_136 = arith.addi %get3A_133, %add3A_135 : vector<16xi32>
      %add3A_137 = arith.constant 2048 : i32
      %add3A_138 = arith.addi %add3A_137, %mul3A_86 : i32
      %swap3A_139 = arith.index_cast %add3A_138 : i32 to index
      %swap3A_140 = tpu.vector_load %arg11[%swap3A_139] {strides = array<i32>} : memref<3072xi32, #tpu.memory_space<vmem>>, vector<16xi32>,
      tpu.vector_store %arg11[%swap3A_139], %add3A_136 {strides = array<i32>} : memref<3072xi32, #tpu.memory_space<vmem>>, vector<16xi32>,
      %get3A_141 = arith.constant 25 : i32
      %get3A_142 = arith.index_cast %get3A_141 : i32 to index
      %get3A_143 = arith.index_cast %mul3A_86 : i32 to index
      %get3A_144 = tpu.vector_load %arg10[%get3A_142, %get3A_143] {strides = array<i32>} : memref<26x512xi32, #tpu.memory_space<vmem>>, vector<16xi32>,
      %add3A_145 = arith.constant 500000 : i32
      %add3A_146 = vector.broadcast %add3A_145 : i32 to vector<16xi32>
      %add3A_147 = arith.addi %get3A_144, %add3A_146 : vector<16xi32>
      %add3A_148 = arith.constant 2560 : i32
      %add3A_149 = arith.addi %add3A_148, %mul3A_86 : i32
      %swap3A_150 = arith.index_cast %add3A_149 : i32 to index
      %swap3A_151 = tpu.vector_load %arg11[%swap3A_150] {strides = array<i32>} : memref<3072xi32, #tpu.memory_space<vmem>>, vector<16xi32>,
      tpu.vector_store %arg11[%swap3A_150], %add3A_147 {strides = array<i32>} : memref<3072xi32, #tpu.memory_space<vmem>>, vector<16xi32>,
    }
    %scan3A_53 = arith.constant 32 : i32
    %dma_start3A_54 = arith.constant 0 : i32
    %dma_start3A_55 = tpu.memref_slice %arg12[%dma_start3A_54] : memref<3072xf32, #tpu.memory_space<vmem>> -> memref<3072xf32, #tpu.memory_space<vmem>>
    %dma_start3A_56 = arith.constant 0 : i32
    %dma_start3A_57 = tpu.memref_slice %arg11[%dma_start3A_56] : memref<3072xi32, #tpu.memory_space<vmem>> -> memref<3072xi32, #tpu.memory_space<vmem>>
    %dma_start3A_58 = arith.constant 0 : i32
    %dma_start3A_59 = tpu.memref_slice %arg4[%dma_start3A_58] : memref<600000xf32, #tpu.memory_space<hbm>> -> memref<600000xf32, #tpu.memory_space<hbm>>
    tpu.enqueue_indirect_dma source(%dma_start3A_59 : memref<600000xf32, #tpu.memory_space<hbm>>) target(%dma_start3A_55 : memref<3072xf32, #tpu.memory_space<vmem>>) offsets(%dma_start3A_57 : memref<3072xi32, #tpu.memory_space<vmem>>) semaphore(%arg22 : memref<!tpu.dma_semaphore, #tpu.memory_space<semaphore_mem>>)
    %dma_wait3A_60 = arith.constant 0 : i32
    %dma_wait3A_61 = tpu.memref_slice %arg3[%dma_wait3A_60, %mul3A_2] : memref<13x16384xf32, #tpu.memory_space<hbm>> -> memref<13x512xf32, #tpu.memory_space<hbm>>
    %dma_wait3A_62 = arith.constant 0 : i32
    %dma_wait3A_63 = tpu.memref_slice %arg3[%dma_wait3A_62, %mul3A_2] : memref<13x16384xf32, #tpu.memory_space<hbm>> -> memref<13x512xf32, #tpu.memory_space<hbm>>
    tpu.wait_dma2 semaphore(%arg20 : memref<!tpu.dma_semaphore, #tpu.memory_space<semaphore_mem>>) src(%dma_wait3A_63 : memref<13x512xf32, #tpu.memory_space<hbm>>) dst(%arg13 : memref<13x512xf32, #tpu.memory_space<vmem>>)
    %dma_wait3A_64 = tpu.memref_slice %arg8[%mul3A_2] : memref<16384xf32, #tpu.memory_space<hbm>> -> memref<512xf32, #tpu.memory_space<hbm>>
    %dma_wait3A_65 = tpu.memref_slice %arg8[%mul3A_2] : memref<16384xf32, #tpu.memory_space<hbm>> -> memref<512xf32, #tpu.memory_space<hbm>>
    tpu.wait_dma2 semaphore(%arg21 : memref<!tpu.dma_semaphore, #tpu.memory_space<semaphore_mem>>) src(%dma_wait3A_65 : memref<512xf32, #tpu.memory_space<hbm>>) dst(%arg17 : memref<512xf32, #tpu.memory_space<vmem>>)
    %scan3A_66 = arith.constant 0 : i32
    %scan3A_67 = arith.constant 0 : i32
    %scan3A_68 = arith.constant 32 : i32
    %scan3A_69 = arith.addi %scan3A_67, %scan3A_68 : i32
    %scan3A_70 = arith.constant 1 : i32
    scf.for %scan3A_84 = %scan3A_67 to %scan3A_69 step %scan3A_70  : i32 {
      %mul3A_85 = arith.constant 16 : i32
      %mul3A_86 = arith.muli %scan3A_84, %mul3A_85 : i32
      %get3A_87 = arith.index_cast %mul3A_86 : i32 to index
      %get3A_88 = tpu.vector_load %arg17[%get3A_87] {strides = array<i32>} : memref<512xf32, #tpu.memory_space<vmem>>, vector<16xf32>,
      %add3A_89 = vector.broadcast %add3A_22 : f32 to vector<16xf32>
      %add3A_90 = arith.addf %get3A_88, %add3A_89 : vector<16xf32>
      %get3A_91 = arith.constant 0 : i32
      %get3A_92 = arith.index_cast %get3A_91 : i32 to index
      %get3A_93 = arith.index_cast %mul3A_86 : i32 to index
      %get3A_94 = tpu.vector_load %arg13[%get3A_92, %get3A_93] {strides = array<i32>} : memref<13x512xf32, #tpu.memory_space<vmem>>, vector<16xf32>,
      %mul3A_95 = vector.broadcast %squeeze3A_24 : f32 to vector<16xf32>
      %mul3A_96 = arith.mulf %get3A_94, %mul3A_95 : vector<16xf32>
      %add3A_97 = arith.addf %add3A_90, %mul3A_96 : vector<16xf32>
      %get3A_98 = arith.constant 1 : i32
      %get3A_99 = arith.index_cast %get3A_98 : i32 to index
      %get3A_100 = arith.index_cast %mul3A_86 : i32 to index
      %get3A_101 = tpu.vector_load %arg13[%get3A_99, %get3A_100] {strides = array<i32>} : memref<13x512xf32, #tpu.memory_space<vmem>>, vector<16xf32>,
      %mul3A_102 = vector.broadcast %squeeze3A_26 : f32 to vector<16xf32>
      %mul3A_103 = arith.mulf %get3A_101, %mul3A_102 : vector<16xf32>
      %add3A_104 = arith.addf %add3A_97, %mul3A_103 : vector<16xf32>
      %get3A_105 = arith.constant 2 : i32
      %get3A_106 = arith.index_cast %get3A_105 : i32 to index
      %get3A_107 = arith.index_cast %mul3A_86 : i32 to index
      %get3A_108 = tpu.vector_load %arg13[%get3A_106, %get3A_107] {strides = array<i32>} : memref<13x512xf32, #tpu.memory_space<vmem>>, vector<16xf32>,
      %mul3A_109 = vector.broadcast %squeeze3A_28 : f32 to vector<16xf32>
      %mul3A_110 = arith.mulf %get3A_108, %mul3A_109 : vector<16xf32>
      %add3A_111 = arith.addf %add3A_104, %mul3A_110 : vector<16xf32>
      %get3A_112 = arith.constant 3 : i32
      %get3A_113 = arith.index_cast %get3A_112 : i32 to index
      %get3A_114 = arith.index_cast %mul3A_86 : i32 to index
      %get3A_115 = tpu.vector_load %arg13[%get3A_113, %get3A_114] {strides = array<i32>} : memref<13x512xf32, #tpu.memory_space<vmem>>, vector<16xf32>,
      %mul3A_116 = vector.broadcast %squeeze3A_30 : f32 to vector<16xf32>
      %mul3A_117 = arith.mulf %get3A_115, %mul3A_116 : vector<16xf32>
      %add3A_118 = arith.addf %add3A_111, %mul3A_117 : vector<16xf32>
      %get3A_119 = arith.constant 4 : i32
      %get3A_120 = arith.index_cast %get3A_119 : i32 to index
      %get3A_121 = arith.index_cast %mul3A_86 : i32 to index
      %get3A_122 = tpu.vector_load %arg13[%get3A_120, %get3A_121] {strides = array<i32>} : memref<13x512xf32, #tpu.memory_space<vmem>>, vector<16xf32>,
      %mul3A_123 = vector.broadcast %squeeze3A_32 : f32 to vector<16xf32>
      %mul3A_124 = arith.mulf %get3A_122, %mul3A_123 : vector<16xf32>
      %add3A_125 = arith.addf %add3A_118, %mul3A_124 : vector<16xf32>
      %get3A_126 = arith.constant 5 : i32
      %get3A_127 = arith.index_cast %get3A_126 : i32 to index
      %get3A_128 = arith.index_cast %mul3A_86 : i32 to index
      %get3A_129 = tpu.vector_load %arg13[%get3A_127, %get3A_128] {strides = array<i32>} : memref<13x512xf32, #tpu.memory_space<vmem>>, vector<16xf32>,
      %mul3A_130 = vector.broadcast %squeeze3A_34 : f32 to vector<16xf32>
      %mul3A_131 = arith.mulf %get3A_129, %mul3A_130 : vector<16xf32>
      %add3A_132 = arith.addf %add3A_125, %mul3A_131 : vector<16xf32>
      %get3A_133 = arith.constant 6 : i32
      %get3A_134 = arith.index_cast %get3A_133 : i32 to index
      %get3A_135 = arith.index_cast %mul3A_86 : i32 to index
      %get3A_136 = tpu.vector_load %arg13[%get3A_134, %get3A_135] {strides = array<i32>} : memref<13x512xf32, #tpu.memory_space<vmem>>, vector<16xf32>,
      %mul3A_137 = vector.broadcast %squeeze3A_36 : f32 to vector<16xf32>
      %mul3A_138 = arith.mulf %get3A_136, %mul3A_137 : vector<16xf32>
      %add3A_139 = arith.addf %add3A_132, %mul3A_138 : vector<16xf32>
      %get3A_140 = arith.constant 7 : i32
      %get3A_141 = arith.index_cast %get3A_140 : i32 to index
      %get3A_142 = arith.index_cast %mul3A_86 : i32 to index
      %get3A_143 = tpu.vector_load %arg13[%get3A_141, %get3A_142] {strides = array<i32>} : memref<13x512xf32, #tpu.memory_space<vmem>>, vector<16xf32>,
      %mul3A_144 = vector.broadcast %squeeze3A_38 : f32 to vector<16xf32>
      %mul3A_145 = arith.mulf %get3A_143, %mul3A_144 : vector<16xf32>
      %add3A_146 = arith.addf %add3A_139, %mul3A_145 : vector<16xf32>
      %get3A_147 = arith.constant 8 : i32
      %get3A_148 = arith.index_cast %get3A_147 : i32 to index
      %get3A_149 = arith.index_cast %mul3A_86 : i32 to index
      %get3A_150 = tpu.vector_load %arg13[%get3A_148, %get3A_149] {strides = array<i32>} : memref<13x512xf32, #tpu.memory_space<vmem>>, vector<16xf32>,
      %mul3A_151 = vector.broadcast %squeeze3A_40 : f32 to vector<16xf32>
      %mul3A_152 = arith.mulf %get3A_150, %mul3A_151 : vector<16xf32>
      %add3A_153 = arith.addf %add3A_146, %mul3A_152 : vector<16xf32>
      %get3A_154 = arith.constant 9 : i32
      %get3A_155 = arith.index_cast %get3A_154 : i32 to index
      %get3A_156 = arith.index_cast %mul3A_86 : i32 to index
      %get3A_157 = tpu.vector_load %arg13[%get3A_155, %get3A_156] {strides = array<i32>} : memref<13x512xf32, #tpu.memory_space<vmem>>, vector<16xf32>,
      %mul3A_158 = vector.broadcast %squeeze3A_42 : f32 to vector<16xf32>
      %mul3A_159 = arith.mulf %get3A_157, %mul3A_158 : vector<16xf32>
      %add3A_160 = arith.addf %add3A_153, %mul3A_159 : vector<16xf32>
      %get3A_161 = arith.constant 10 : i32
      %get3A_162 = arith.index_cast %get3A_161 : i32 to index
      %get3A_163 = arith.index_cast %mul3A_86 : i32 to index
      %get3A_164 = tpu.vector_load %arg13[%get3A_162, %get3A_163] {strides = array<i32>} : memref<13x512xf32, #tpu.memory_space<vmem>>, vector<16xf32>,
      %mul3A_165 = vector.broadcast %squeeze3A_44 : f32 to vector<16xf32>
      %mul3A_166 = arith.mulf %get3A_164, %mul3A_165 : vector<16xf32>
      %add3A_167 = arith.addf %add3A_160, %mul3A_166 : vector<16xf32>
      %get3A_168 = arith.constant 11 : i32
      %get3A_169 = arith.index_cast %get3A_168 : i32 to index
      %get3A_170 = arith.index_cast %mul3A_86 : i32 to index
      %get3A_171 = tpu.vector_load %arg13[%get3A_169, %get3A_170] {strides = array<i32>} : memref<13x512xf32, #tpu.memory_space<vmem>>, vector<16xf32>,
      %mul3A_172 = vector.broadcast %squeeze3A_46 : f32 to vector<16xf32>
      %mul3A_173 = arith.mulf %get3A_171, %mul3A_172 : vector<16xf32>
      %add3A_174 = arith.addf %add3A_167, %mul3A_173 : vector<16xf32>
      %get3A_175 = arith.constant 12 : i32
      %get3A_176 = arith.index_cast %get3A_175 : i32 to index
      %get3A_177 = arith.index_cast %mul3A_86 : i32 to index
      %get3A_178 = tpu.vector_load %arg13[%get3A_176, %get3A_177] {strides = array<i32>} : memref<13x512xf32, #tpu.memory_space<vmem>>, vector<16xf32>,
      %mul3A_179 = vector.broadcast %squeeze3A_48 : f32 to vector<16xf32>
      %mul3A_180 = arith.mulf %get3A_178, %mul3A_179 : vector<16xf32>
      %add3A_181 = arith.addf %add3A_174, %mul3A_180 : vector<16xf32>
      %swap3A = arith.index_cast %mul3A_86 : i32 to index
      %swap3A_182 = tpu.vector_load %arg18[%swap3A] {strides = array<i32>} : memref<512xf32, #tpu.memory_space<vmem>>, vector<16xf32>,
      tpu.vector_store %arg18[%swap3A], %add3A_181 {strides = array<i32>} : memref<512xf32, #tpu.memory_space<vmem>>, vector<16xf32>,
    }
    %scan3A_71 = arith.constant 32 : i32
    %dma_wait3A_72 = arith.constant 0 : i32
    %dma_wait3A_73 = tpu.memref_slice %arg12[%dma_wait3A_72] : memref<3072xf32, #tpu.memory_space<vmem>> -> memref<3072xf32, #tpu.memory_space<vmem>>
    %dma_wait3A_74 = arith.constant 0 : i32
    %dma_wait3A_75 = tpu.memref_slice %arg11[%dma_wait3A_74] : memref<3072xi32, #tpu.memory_space<vmem>> -> memref<3072xi32, #tpu.memory_space<vmem>>
    %dma_wait3A_76 = arith.constant 0 : i32
    %dma_wait3A_77 = tpu.memref_slice %arg4[%dma_wait3A_76] : memref<600000xf32, #tpu.memory_space<hbm>> -> memref<600000xf32, #tpu.memory_space<hbm>>
    tpu.wait_indirect_dma semaphore(%arg22 : memref<!tpu.dma_semaphore, #tpu.memory_space<semaphore_mem>>) src(%dma_wait3A_77 : memref<600000xf32, #tpu.memory_space<hbm>>) dst(%dma_wait3A_73 : memref<3072xf32, #tpu.memory_space<vmem>>)
    %scan3A_78 = arith.constant 0 : i32
    %scan3A_79 = arith.constant 0 : i32
    %scan3A_80 = arith.constant 32 : i32
    %scan3A_81 = arith.addi %scan3A_79, %scan3A_80 : i32
    %scan3A_82 = arith.constant 1 : i32
    scf.for %scan3A_84 = %scan3A_79 to %scan3A_81 step %scan3A_82  : i32 {
      %mul3A_85 = arith.constant 16 : i32
      %mul3A_86 = arith.muli %scan3A_84, %mul3A_85 : i32
      %get3A_87 = arith.index_cast %mul3A_86 : i32 to index
      %get3A_88 = tpu.vector_load %arg18[%get3A_87] {strides = array<i32>} : memref<512xf32, #tpu.memory_space<vmem>>, vector<16xf32>,
      %add3A_89 = arith.constant 0 : i32
      %add3A_90 = arith.addi %add3A_89, %mul3A_86 : i32
      %get3A_91 = arith.index_cast %add3A_90 : i32 to index
      %get3A_92 = tpu.vector_load %arg12[%get3A_91] {strides = array<i32>} : memref<3072xf32, #tpu.memory_space<vmem>>, vector<16xf32>,
      %add3A_93 = arith.addf %get3A_88, %get3A_92 : vector<16xf32>
      %add3A_94 = arith.constant 512 : i32
      %add3A_95 = arith.addi %add3A_94, %mul3A_86 : i32
      %get3A_96 = arith.index_cast %add3A_95 : i32 to index
      %get3A_97 = tpu.vector_load %arg12[%get3A_96] {strides = array<i32>} : memref<3072xf32, #tpu.memory_space<vmem>>, vector<16xf32>,
      %add3A_98 = arith.addf %add3A_93, %get3A_97 : vector<16xf32>
      %add3A_99 = arith.constant 1024 : i32
      %add3A_100 = arith.addi %add3A_99, %mul3A_86 : i32
      %get3A_101 = arith.index_cast %add3A_100 : i32 to index
      %get3A_102 = tpu.vector_load %arg12[%get3A_101] {strides = array<i32>} : memref<3072xf32, #tpu.memory_space<vmem>>, vector<16xf32>,
      %add3A_103 = arith.addf %add3A_98, %get3A_102 : vector<16xf32>
      %add3A_104 = arith.constant 1536 : i32
      %add3A_105 = arith.addi %add3A_104, %mul3A_86 : i32
      %get3A_106 = arith.index_cast %add3A_105 : i32 to index
      %get3A_107 = tpu.vector_load %arg12[%get3A_106] {strides = array<i32>} : memref<3072xf32, #tpu.memory_space<vmem>>, vector<16xf32>,
      %add3A_108 = arith.addf %add3A_103, %get3A_107 : vector<16xf32>
      %add3A_109 = arith.constant 2048 : i32
      %add3A_110 = arith.addi %add3A_109, %mul3A_86 : i32
      %get3A_111 = arith.index_cast %add3A_110 : i32 to index
      %get3A_112 = tpu.vector_load %arg12[%get3A_111] {strides = array<i32>} : memref<3072xf32, #tpu.memory_space<vmem>>, vector<16xf32>,
      %add3A_113 = arith.addf %add3A_108, %get3A_112 : vector<16xf32>
      %add3A_114 = arith.constant 2560 : i32
      %add3A_115 = arith.addi %add3A_114, %mul3A_86 : i32
      %get3A_116 = arith.index_cast %add3A_115 : i32 to index
      %get3A_117 = tpu.vector_load %arg12[%get3A_116] {strides = array<i32>} : memref<3072xf32, #tpu.memory_space<vmem>>, vector<16xf32>,
      %add3A_118 = arith.addf %add3A_113, %get3A_117 : vector<16xf32>
      %swap3A = arith.index_cast %mul3A_86 : i32 to index
      %swap3A_119 = tpu.vector_load %arg18[%swap3A] {strides = array<i32>} : memref<512xf32, #tpu.memory_space<vmem>>, vector<16xf32>,
      tpu.vector_store %arg18[%swap3A], %add3A_118 {strides = array<i32>} : memref<512xf32, #tpu.memory_space<vmem>>, vector<16xf32>,
    }
    %scan3A_83 = arith.constant 32 : i32
    "tpu.region"() ({
      %run_scoped3A = tpu.sem_alloc : memref<!tpu.dma_semaphore, #tpu.memory_space<semaphore_mem>>
      %dma_start3A_84 = tpu.memref_slice %arg9[%mul3A_2] : memref<16384xf32, #tpu.memory_space<hbm>> -> memref<512xf32, #tpu.memory_space<hbm>>
      %dma_start3A_85 = tpu.memref_slice %arg9[%mul3A_2] : memref<16384xf32, #tpu.memory_space<hbm>> -> memref<512xf32, #tpu.memory_space<hbm>>
      tpu.enqueue_dma source(%arg18 : memref<512xf32, #tpu.memory_space<vmem>>) target(%dma_start3A_85 : memref<512xf32, #tpu.memory_space<hbm>>) target_semaphore(%run_scoped3A : memref<!tpu.dma_semaphore, #tpu.memory_space<semaphore_mem>>)
      %dma_wait3A_86 = tpu.memref_slice %arg9[%mul3A_2] : memref<16384xf32, #tpu.memory_space<hbm>> -> memref<512xf32, #tpu.memory_space<hbm>>
      %dma_wait3A_87 = tpu.memref_slice %arg9[%mul3A_2] : memref<16384xf32, #tpu.memory_space<hbm>> -> memref<512xf32, #tpu.memory_space<hbm>>
      tpu.wait_dma2 semaphore(%run_scoped3A : memref<!tpu.dma_semaphore, #tpu.memory_space<semaphore_mem>>) src(%arg18 : memref<512xf32, #tpu.memory_space<vmem>>) dst(%dma_wait3A_87 : memref<512xf32, #tpu.memory_space<hbm>>)
      tpu.yield
    }) : () -> ()
    return
  }
}

</mosaic_0001>

<sc_bundles>
// kernel: _lrmodel_sc.4.cloned.1.call-start
scs
__scs_entry_jumppad:
0x0: {  	(pc) =	sbr.rel $0x88, $3  }
0x1: {  	(tag) =	ssettag $0x0;
	lr =	simm.s32 $0x1  }
0x2: {  	[smem:$0x3F9A] =	sst lr;
	_ =	strace $0xD0000000  }
0x3: {  	_ = 	snop  }
0x4: {  	_ = 	snop  }
0x5: {  	_ = 	snop  }
0x6: {  	_ = 	snop  }
0x7: {  	_ = 	snop  }
__scs_overlays_trampoline_lowered:
0x8: {  	[smem:$0x3FA9] =	sst s0  }
0x9: {  	[smem:$0x3FAA] =	sst s1  }
0xa: {  	[smem:$0x3FAB] =	sst s2  }
0xb: {  	[smem:$0x3FAC] =	sst s3  }
0xc: {  	[smem:$0x3FAD] =	sst s4  }
0xd: {  	[smem:$0x3FAE] =	sst s5  }
0xe: {  	[smem:$0x3FAF] =	sst s6  }
0xf: {  	[smem:$0x3FB0] =	sst s7  }
0x10: {  	[smem:$0x3FB1] =	sst s8  }
0x11: {  	[smem:$0x3FB2] =	sst s9;
	s0 =	simm.s32 @!p0 $0x0  }
0x12: {  	s1 =	sld [smem:$0x3F98];
	s0 =	simm.s32 @p0 $0x1  }
0x13: {  	[smem:$0x3FB3] =	sst s0;
	s0 =	simm.s32 @!p1 $0x0  }
0x14: {  	s2 =	sld [smem:$0x3F97];
	s0 =	simm.s32 @p1 $0x1  }
0x15: {  	[smem:$0x3FB4] =	sst s0;
	s0 =	simm.s32 @!p2 $0x0  }
0x16: {  	s3 =	sld [smem:$0x3FDB];
	s0 =	simm.s32 @p2 $0x1  }
0x17: {  	s4 =	simm.s32 $0x1BF5;
	[smem:$0x3FB6] =	sst s0  }
0x18: {  	s0 =	sld [smem:$0x3F99];
	_ =	swait.ge [sflag:s4], $0x0  }
0x19: {  	s7 =	sld [smem:$0x3F9A]  }
0x1a: {  	s8 =	sadd.s32 $0xFFFFE003, lr  }
0x1b: {  	s9 =	sadd.s32 $0xFFFFFEF7, lr;
	s5 =	simm.s32 $0xFFFFFFFF;
	p2 =	slt.u32 s8, $0xFFFFF086  }
0x1c: {  	p1 =	slt.u32 s9, $0xF7A;
	s5 =	simm.s32 @!p2 $0x0  }
0x1d: {  	s5 =	simm.s32 @p1 $0x1;
	p0 =	seq.s32 s7, s2  }
0x1e: {  	s7 =	smul.u32 @!p0 $0xF7A, s2;
	p2 =	seq.s32 @!p0 s5, $0x0  }
0x1f: {  	s9 =	smul.u32 $0xF7A, s1;
	s8 =	simm.s32 @!p0 $0x1BF5;
	p2 =	por !p2, p0  }
0x20: {  	[sflag:s8] =	ssyncset.s32 @!p0 $0xFFFFF086;
	s6 =	sadd.s32 @!p0 s3, s7;
	s7 =	simm.s32 @!p0 $0x108  }
0x21: {  	s3 =	sadd.s32 s3, s9;
	s6 =	sadd.s32 @!p0 $0x88, s6;
	s7 =	simm.s32 @p2 $0x1082  }
0x22: {  	[simem:s7], [sflag:s8] =	dma.local @!p0 [hbm:s6], $0xF7A  }
0x23: {  	s9 =	sor.u32 $0xD0000000, s2;
	s6 =	simm.s32 $0x108;
	_ =	swait.ge @!p0 [sflag:s8], $0x0  }
0x24: {  	s3 =	sadd.s32 $0x88, s3;
	s6 =	simm.s32 @!p1 $0x1082;
	[sflag:s4] =	ssyncset.s32 $0xFFFFF086  }
0x25: {  	[simem:s6], [sflag:s4] =	dma.local [hbm:s3], $0xF7A  }
0x26: {  	[smem:$0x3F9A] =	sst s1;
	(tag) =	ssettag s2;
	_ =	strace s9  }
0x27: {  	s1 =	sld [smem:$0x3FAA]  }
0x28: {  	s2 =	sld [smem:$0x3FAB]  }
0x29: {  	s4 =	sld [smem:$0x3FAD]  }
0x2a: {  	p0 =	seq.s32 s5, $0x0;
	s5 =	sld [smem:$0x3FAE]  }
0x2b: {  	s6 =	sld [smem:$0x3FAF]  }
0x2c: {  	s7 =	sld [smem:$0x3FB0]  }
0x2d: {  	s3 =	simm.s32 $0x108;
	s8 =	sld [smem:$0x3FB1]  }
0x2e: {  	s3 =	simm.s32 @!p0 $0x1082;
	s9 =	sld [smem:$0x3FB2]  }
0x2f: {  	lr =	sadd.s32 s0, s3;
	s0 =	sld [smem:$0x3FA9]  }
0x30: {  	s3 =	sld [smem:$0x3FAC]  }
0x31: {  	[smem:$0x3FB5] =	sst s10  }
0x32: {  	s10 =	sld [smem:$0x3FB3];
	_ =	sdelay $0x3  }
0x33: {  	p0 =	seq.s32 s10, $0x1;
	s10 =	sld [smem:$0x3FB5];
	_ =	sdelay $0x3  }
0x34: {  	[smem:$0x3FB5] =	sst s10  }
0x35: {  	s10 =	sld [smem:$0x3FB4];
	_ =	sdelay $0x3  }
0x36: {  	p1 =	seq.s32 s10, $0x1;
	s10 =	sld [smem:$0x3FB5];
	_ =	sdelay $0x3  }
0x37: {  	[smem:$0x3FB5] =	sst s10  }
0x38: {  	s10 =	sld [smem:$0x3FB6]  }
0x39: {  	_ = 	snop;
	(pc) =	sbr.ind lr, $3  }
0x3a: {  	_ = 	snop  }
0x3b: {  	_ = 	snop  }
0x3c: {  	p2 =	seq.s32 s10, $0x1;
	s10 =	sld [smem:$0x3FB5]  }
0x3d: {  	_ =	shalt  }
0x3e: {  	_ =	shalt  }
0x3f: {  	_ =	shalt  }
0x40: {  	_ =	shalt  }
0x41: {  	_ =	shalt  }
0x42: {  	_ =	shalt  }
0x43: {  	_ =	shalt  }
0x44: {  	_ =	shalt  }
0x45: {  	_ =	shalt  }
0x46: {  	_ =	shalt  }
0x47: {  	_ =	shalt  }
0x48: {  	_ =	shalt  }
0x49: {  	_ =	shalt  }
0x4a: {  	_ =	shalt  }
0x4b: {  	_ =	shalt  }
0x4c: {  	_ =	shalt  }
0x4d: {  	_ =	shalt  }
0x4e: {  	_ =	shalt  }
0x4f: {  	_ =	shalt  }
0x50: {  	_ =	shalt  }
0x51: {  	_ =	shalt  }
0x52: {  	_ =	shalt  }
0x53: {  	_ =	shalt  }
0x54: {  	_ =	shalt  }
0x55: {  	_ =	shalt  }
0x56: {  	_ =	shalt  }
0x57: {  	_ =	shalt  }
0x58: {  	_ =	shalt  }
0x59: {  	_ =	shalt  }
0x5a: {  	_ =	shalt  }
0x5b: {  	_ =	shalt  }
0x5c: {  	_ =	shalt  }
0x5d: {  	_ =	shalt  }
0x5e: {  	_ =	shalt  }
0x5f: {  	_ =	shalt  }
0x60: {  	_ =	shalt  }
0x61: {  	_ =	shalt  }
0x62: {  	_ =	shalt  }
0x63: {  	_ =	shalt  }
0x64: {  	_ =	shalt  }
0x65: {  	_ =	shalt  }
0x66: {  	_ =	shalt  }
0x67: {  	_ =	shalt  }
0x68: {  	_ =	shalt  }
0x69: {  	_ =	shalt  }
0x6a: {  	_ =	shalt  }
0x6b: {  	_ =	shalt  }
0x6c: {  	_ =	shalt  }
0x6d: {  	_ =	shalt  }
0x6e: {  	_ =	shalt  }
0x6f: {  	_ =	shalt  }
0x70: {  	_ =	shalt  }
0x71: {  	_ =	shalt  }
0x72: {  	_ =	shalt  }
0x73: {  	_ =	shalt  }
0x74: {  	_ =	shalt  }
0x75: {  	_ =	shalt  }
0x76: {  	_ =	shalt  }
0x77: {  	_ =	shalt  }
0x78: {  	_ =	shalt  }
0x79: {  	_ =	shalt  }
0x7a: {  	_ =	shalt  }
0x7b: {  	_ =	shalt  }
0x7c: {  	_ =	shalt  }
0x7d: {  	_ =	shalt  }
0x7e: {  	_ =	shalt  }
0x7f: {  	_ =	shalt  }
0x80: {  	_ =	shalt  }
0x81: {  	_ =	shalt  }
0x82: {  	_ =	shalt  }
0x83: {  	_ =	shalt  }
0x84: {  	_ =	shalt  }
0x85: {  	_ =	shalt  }
0x86: {  	_ =	shalt  }
0x87: {  	_ =	shalt  }
.Lfunc_end0:
.L_simem_size_0:
called_computation_lowered:
.L_overlay_start_0:
0x88: {  	s2 =	sld [smem:$0x3FD9]  }
0x89: {  	s3 =	sld [smem:$0x3FFE];
	_ =	sdelay $0x1  }
0x8a: {  	s1 =	srdreg.scid  }
0x8b: {  	s0 =	sand.u32 $0x1, s1  }
0x8c: {  	s17 =	sshll.u32 s0, $0xA;
	s2 =	sadd.s32 s3, s2  }
0x8d: {  	s2 =	sadd.s32 s2, s17  }
0x8e: {  	[smem:$0x3FC1] =	sst s2  }
0x8f: {  	_ = 	snop  }
0x90: {  	s2 =	sld [smem:$0x3FC9]  }
0x91: {  	s18 =	sld [smem:$0x3FC7];
	(tm) =	ssettm $0x1  }
0x92: {  	s4 =	sld [smem:$0x3FFB];
	_ =	sdelay $0x3  }
0x93: {  	_ =	strace s4  }
0x94: {  	s4 =	sld [smem:$0x3FFC];
	_ =	sdelay $0x3  }
0x95: {  	_ =	strace s4  }
0x96: {  	s4 =	sld [smem:$0x3FFD];
	_ =	sdelay $0x3  }
0x97: {  	_ =	strace s4  }
0x98: {  	_ =	strace $0x8FFFFFFF  }
0x99: {  	s19 =	sld [smem:$0x3FDB];
	_ =	sdelay $0x1  }
0x9a: {  	s5 =	simm.s32 $_scs_section_size  }
0x9b: {  	s6 =	simm.s32 $_size__tile_overlayer_lowered;
	s7 =	simm.s32 $_tile_overlayer_lowered  }
0x9c: {  	s22 =	simm.s32 $0x1BFF;
	s21 =	sshll.u32 s7, $0x1;
	s4 =	sadd.s32 s5, s19  }
0x9d: {  	s8 =	simm.s32 $0x0;
	s20 =	sshll.u32 s6, $0x1;
	s6 =	sadd.s32 s21, s4  }
0x9e: {  	[timem:s8], [sflag:s22] =	dma.local [hbm:s6], s20  }
0x9f: {  	_ =	swait.ge [sflag:s22], s20  }
0xa0: {  	s5 =	ssub.s32 $0x0, s20;
	[sflag:s22] =	ssyncset.done $0x0  }
0xa1: {  	[sflag:s22] =	ssyncadd.s32 s5;
	_ =	sdelay $0x1  }
0xa2: {  	s23 =	simm.s32 $0x1B8B  }
0xa3: {  	_ =	swait.ge [sflag:s23], $0x1  }
0xa4: {  	[sflag:s23] =	ssyncset.done $0x0  }
0xa5: {  	s25 =	simm.s32 $0x1B8E;
	s24 =	sld [smem:$0x3FFE];
	[sflag:s23] =	ssyncadd.s32 $0xFFFFFFFF  }
0xa6: {  	s26 =	simm.s32 $execute0_lowered;
	[smem:$0x3FD2] =	sst s25  }
0xa7: {  	s6 =	sshll.u32 s26, $0x1;
	_ =	strace $0x80000046;
	[dreg:$0x1] =	wrdreg $0xFFFFFFFF  }
0xa8: {  	s28 =	simm.s32 $_size_execute0_lowered;
	s4 =	sadd.s32 s4, s6;
	[dreg:$0x0] =	wrdreg $0x0  }
0xa9: {  	s6 =	sshll.u32 s28, $0x1;
	[dreg:$0x2] =	wrdreg s4  }
0xaa: {  	[dreg:$0x3] =	wrdreg s6  }
0xab: {  	[dreg:$0x4] =	wrdreg $0xC0  }
0xac: {  	_ =	task [dreg:s8], $0x5FFFF  }
0xad: {  	[dreg:$0x1] =	wrdreg $0xFFFFFFFF  }
0xae: {  	[dreg:$0x0] =	wrdreg $0x60  }
0xaf: {  	[dreg:$0x2] =	wrdreg s2  }
0xb0: {  	[dreg:$0x3] =	wrdreg s18  }
0xb1: {  	[dreg:$0x4] =	wrdreg s24  }
0xb2: {  	[dreg:$0x5] =	wrdreg $0x9  }
0xb3: {  	_ =	task.clear_ibuf [dreg:s8], $0x6FFFF;
	_ =	strace $0x90000046  }
0xb4: {  	s29 =	simm.s32 $0x9;
	_ =	strace $0x80000048  }
0xb5: {  	_ =	swait.ge [sflag:s29], $0x1  }
0xb6: {  	[sflag:s29] =	ssyncadd.s32 $0xFFFFFFFF  }
0xb7: {  	_ =	strace $0x90000048  }
0xb8: {  	_ =	sfence  }
0xb9: {  	s30 =	sld [smem:$0x0];
	_ =	sdelay $0x2  }
0xba: {  	s31 =	sshll.u32 s1, $0xD;
	s1 =	sshrl.u32 s1, $0x2  }
0xbb: {  	s3 =	sand.u32 $0x4000, s31;
	s1 =	sadd.s32 s1, s30  }
0xbc: {  	s0 =	sor.u32 s3, s0;
	s1 =	sshll.u32 s1, $0x11  }
0xbd: {  	s0 =	sor.u32 s1, s0  }
0xbe: {  	s0 =	sadd.s32 $0x8F2B, s0  }
0xbf: {  	[sflag:s0] =	ssyncadd.remote.s32 $0x1  }
0xc0: {  	_ =	sfence.sel $0xFFFF  }
0xc1: {  	[dreg:$0x0] =	wrdreg $0xFFFFFFFF;
	(pc) =	sbr.abs _section_cstart, $3  }
0xc2: {  	[dreg:$0x1] =	wrdreg $0xFFFFFFFF  }
0xc3: {  	_ =	task.clear_ibuf [dreg:s8], $0x2FFFF;
	_ =	strace $0x9FFFFFFF  }
0xc4: {  	(tm) =	ssettm $0x7FFFFFFF  }
0xc5: {  	_ =	shalt  }
tec
execute0_lowered:
.L_overlay_start_1:
0x0: {  	(tag) =	ssettag $0x1  }
0x1: {  	s4 =	rddreg [dreg:$0x0]  }
0x2: {  	s1 =	srdreg.scid;
	s2 =	rddreg [dreg:$0x1]  }
0x3: {  	s0 =	stileid.u32;
	s6 =	rddreg [dreg:$0x2]  }
0x4: {  	s3 =	simm.s32 $0x0;
	s9 =	simm.s32 $0x1;
	s10 =	simm.s32 $0xE00  }
0x5: {  	s11 =	simm.s32 $0x4000;
	s12 =	simm.s32 $0x6800;
	s13 =	simm.s32 $0x4E00  }
0x6: {  	s14 =	simm.s32 $0x7600;
	s15 =	simm.s32 $0xC00;
	s16 =	simm.s32 $0x5C00  }
0x7: {  	s17 =	simm.s32 $0x8400;
	s18 =	simm.s32 $0x2;
	s19 =	simm.s32 $0x3  }
0x8: {  	s20 =	simm.s32 $0x4;
	s21 =	simm.s32 $0x9000;
	s22 =	simm.s32 $0x5  }
0x9: {  	s23 =	simm.s32 $0x0;
	s5 =	sand.u32 $0x1, s1;
	s1 =	rddreg [dreg:$0x3]  }
0xa: {  	s7 =	sshll.u32 s0, $0xA;
	[smem:$0x7FF] =	sst s3;
	s8 =	sshll.u32 s5, $0x9  }
0xb: {  	s5 =	ssub.s32 $0x2, s5;
	_ =	strace $0x80000047;
	s7 =	sor.u32 s8, s7  }
0xc: {  	s31 =	sshrl.u32 s5, $0x1;
	s8 =	sshrl.u32 s7, $0x3;
	s4 =	sadd.s32 s4, s7  }
0xd: {  	s7 =	simm.s32 $0x1000;
	s6 =	sadd.s32 s8, s6;
	s8 =	ssub.s32 s5, s31  }
0xe: {  	v0 =	vimm.f32 $0.0e+00;
	s5 =	sadd.s32 $0x800, s6;
	s6 =	smax.u32 s8, $0x1;
	s8 =	simm.s32 $0x20000  }
.LBB2_1:
0xf: {  	[tilespmem:s3], [sflag:$0x1] =	stream.strided.gather [hbm4b:s4+s7], $0x4000, s8, s7, $0x38;
	[tilespmem:$0x9200] =	vst v63  }
0x10: {  	_ =	swait.ge [sflag:s9], $0x4000  }
0x11: {  	s24 =	sand.u32 $0x70, s3;
	s25 =	sand.u32 $0xC00, s3;
	[sflag:s9] =	ssyncset.done $0x0  }
0x12: {  	s24 =	sor.u32 s24, s25;
	[sflag:s9] =	ssyncadd.s32 $0xFFFFC000  }
0x13: {  	v1 =	vld [tilespmem:s24+$0x0];
	_ =	sdelay $0x4  }
0x14: {  	[tilespmem:s11+$0x0] =	vst v1  }
0x15: {  	v1 =	vld [tilespmem:s24+$0x80];
	_ =	sdelay $0x4  }
0x16: {  	s25 =	sand.u32 $0x1F0, s3;
	v1 =	vadd.s32 $0x186A0, v1  }
0x17: {  	[tilespmem:s25+$0x4200] =	vst v1  }
0x18: {  	v1 =	vld [tilespmem:s24+$0x100];
	_ =	sdelay $0x4  }
0x19: {  	v1 =	vadd.s32 $0x30D40, v1  }
0x1a: {  	[tilespmem:s25+$0x4400] =	vst v1  }
0x1b: {  	v1 =	vld [tilespmem:s24+$0x180];
	_ =	sdelay $0x4  }
0x1c: {  	v1 =	vadd.s32 $0x493E0, v1  }
0x1d: {  	[tilespmem:s25+$0x4600] =	vst v1  }
0x1e: {  	v1 =	vld [tilespmem:s24+$0x200];
	_ =	sdelay $0x4  }
0x1f: {  	v1 =	vadd.s32 $0x61A80, v1  }
0x20: {  	[tilespmem:s25+$0x4800] =	vst v1  }
0x21: {  	v1 =	vld [tilespmem:s24+$0x280];
	_ =	sdelay $0x4  }
0x22: {  	v1 =	vadd.s32 $0x7A120, v1  }
0x23: {  	[tilespmem:s25+$0x4A00] =	vst v1  }
0x24: {  	v1 =	vld [tilespmem:s24+$0x300];
	_ =	sdelay $0x3  }
0x25: {  	s26 =	simm.s32 $0x80;
	s29 =	simm.s32 $0x20;
	s24 =	simm.s32 $0x10  }
0x26: {  	s28 =	simm.s32 $0x4000;
	s31 =	sand.u32 $0xC00, s26;
	s30 =	sand.u32 $0x70, s24;
	v1 =	vadd.s32 $0x927C0, v1  }
.LBB2_2:
0x27: {  	p0 =	sne.s32 s29, $0x1F0;
	s30 =	sor.u32 s30, s31;
	[tilespmem:s25+$0x4C00] =	vst v1  }
0x28: {  	v1 =	vld [tilespmem:s30+$0x0];
	_ =	sdelay $0x3  }
0x29: {  	s28 =	sadd.s32 $0x10, s28  }
0x2a: {  	[tilespmem:s28+$0x0] =	vst v1  }
0x2b: {  	v1 =	vld [tilespmem:s30+$0x80];
	_ =	sdelay $0x4  }
0x2c: {  	s25 =	sand.u32 $0x1F0, s24;
	s24 =	smov.u32 s29;
	v1 =	vadd.s32 $0x186A0, v1  }
0x2d: {  	[tilespmem:s25+$0x4200] =	vst v1  }
0x2e: {  	v1 =	vld [tilespmem:s30+$0x100];
	_ =	sdelay $0x4  }
0x2f: {  	v1 =	vadd.s32 $0x30D40, v1  }
0x30: {  	[tilespmem:s25+$0x4400] =	vst v1  }
0x31: {  	v1 =	vld [tilespmem:s30+$0x180];
	_ =	sdelay $0x4  }
0x32: {  	v1 =	vadd.s32 $0x493E0, v1  }
0x33: {  	[tilespmem:s25+$0x4600] =	vst v1  }
0x34: {  	v1 =	vld [tilespmem:s30+$0x200];
	_ =	sdelay $0x4  }
0x35: {  	v1 =	vadd.s32 $0x61A80, v1  }
0x36: {  	[tilespmem:s25+$0x4800] =	vst v1  }
0x37: {  	v1 =	vld [tilespmem:s30+$0x280];
	_ =	sdelay $0x4  }
0x38: {  	v1 =	vadd.s32 $0x7A120, v1  }
0x39: {  	[tilespmem:s25+$0x4A00] =	vst v1  }
0x3a: {  	v1 =	vld [tilespmem:s30+$0x300]  }
.Ltmp0:
0x3b: {  	(pc) =	sbr.rel @p0 .LBB2_2-.Ltmp0, $3  }
0x3c: {  	_ =	sdelay $0x1  }
0x3d: {  	s26 =	sadd.s32 $0x80, s26  }
0x3e: {  	s29 =	sadd.s32 $0x10, s29;
	s31 =	sand.u32 $0xC00, s26;
	s30 =	sand.u32 $0x70, s24;
	v1 =	vadd.s32 $0x927C0, v1  }
0x3f: {  	s26 =	sor.u32 s30, s31;
	[tilespmem:s25+$0x4C00] =	vst v1  }
0x40: {  	v1 =	vld [tilespmem:s26+$0x0];
	_ =	sdelay $0x3  }
0x41: {  	s31 =	sadd.s32 $0x10, s28  }
0x42: {  	[tilespmem:s31+$0x0] =	vst v1  }
0x43: {  	v1 =	vld [tilespmem:s26+$0x80];
	_ =	sdelay $0x4  }
0x44: {  	s24 =	sand.u32 $0x1F0, s24;
	v1 =	vadd.s32 $0x186A0, v1  }
0x45: {  	[tilespmem:s24+$0x4200] =	vst v1  }
0x46: {  	v1 =	vld [tilespmem:s26+$0x100];
	_ =	sdelay $0x4  }
0x47: {  	v1 =	vadd.s32 $0x30D40, v1  }
0x48: {  	[tilespmem:s24+$0x4400] =	vst v1  }
0x49: {  	v1 =	vld [tilespmem:s26+$0x180];
	_ =	sdelay $0x4  }
0x4a: {  	v1 =	vadd.s32 $0x493E0, v1  }
0x4b: {  	[tilespmem:s24+$0x4600] =	vst v1  }
0x4c: {  	v1 =	vld [tilespmem:s26+$0x200];
	_ =	sdelay $0x4  }
0x4d: {  	v1 =	vadd.s32 $0x61A80, v1  }
0x4e: {  	[tilespmem:s24+$0x4800] =	vst v1  }
0x4f: {  	v1 =	vld [tilespmem:s26+$0x280];
	_ =	sdelay $0x4  }
0x50: {  	v1 =	vadd.s32 $0x7A120, v1  }
0x51: {  	[tilespmem:s24+$0x4A00] =	vst v1  }
0x52: {  	v1 =	vld [tilespmem:s26+$0x300];
	_ =	sdelay $0x4  }
0x53: {  	v1 =	vadd.s32 $0x927C0, v1  }
0x54: {  	[tilespmem:s24+$0x4C00] =	vst v1;
	s24 =	simm.s32 $0x0  }
0x55: {  	[tilespmem:s12], [sflag:$0x2] =	stream.indirect.gather [hbm4b:s2+s10], $0x1, s11, s10, $0xb8;
	[tilespmem:$0x9200] =	vst v63  }
0x56: {  	s26 =	sor.u32 s24, s24  }
0x57: {  	s25 =	sor.u32 $0x380, s26  }
0x58: {  	v1 =	vld [tilespmem:s25+$0x0];
	_ =	sdelay $0x4  }
0x59: {  	s30 =	sand.u32 $0x70, s24;
	s31 =	sand.u32 $0xC00, s24;
	s24 =	sand.u32 $0x1F0, s24;
	v1 =	vadd.s32 $0xAAE60, v1  }
0x5a: {  	s25 =	sor.u32 s30, s31;
	[tilespmem:s24+$0x4E00] =	vst v1  }
0x5b: {  	v1 =	vld [tilespmem:s25+$0x1000];
	_ =	sdelay $0x4  }
0x5c: {  	v1 =	vadd.s32 $0xC3500, v1  }
0x5d: {  	[tilespmem:s24+$0x5000] =	vst v1  }
0x5e: {  	v1 =	vld [tilespmem:s25+$0x1080];
	_ =	sdelay $0x4  }
0x5f: {  	v1 =	vadd.s32 $0xDBBA0, v1  }
0x60: {  	[tilespmem:s24+$0x5200] =	vst v1  }
0x61: {  	v1 =	vld [tilespmem:s25+$0x1100];
	_ =	sdelay $0x4  }
0x62: {  	v1 =	vadd.s32 $0xF4240, v1  }
0x63: {  	[tilespmem:s24+$0x5400] =	vst v1  }
0x64: {  	v1 =	vld [tilespmem:s25+$0x1180];
	_ =	sdelay $0x4  }
0x65: {  	v1 =	vadd.s32 $0x10C8E0, v1  }
0x66: {  	[tilespmem:s24+$0x5600] =	vst v1  }
0x67: {  	v1 =	vld [tilespmem:s25+$0x1200];
	_ =	sdelay $0x4  }
0x68: {  	v1 =	vadd.s32 $0x124F80, v1  }
0x69: {  	[tilespmem:s24+$0x5800] =	vst v1  }
0x6a: {  	v1 =	vld [tilespmem:s25+$0x1280];
	_ =	sdelay $0x3  }
0x6b: {  	s26 =	simm.s32 $0x10;
	s25 =	simm.s32 $0x80  }
0x6c: {  	s28 =	simm.s32 $0x20;
	s29 =	sor.u32 s25, s26;
	v1 =	vadd.s32 $0x13D620, v1  }
.LBB2_4:
0x6d: {  	p0 =	sne.s32 s28, $0x1F0;
	s29 =	sor.u32 $0x380, s29;
	[tilespmem:s24+$0x5A00] =	vst v1  }
0x6e: {  	v1 =	vld [tilespmem:s29+$0x0];
	_ =	sdelay $0x4  }
0x6f: {  	s30 =	sand.u32 $0xC00, s25;
	s24 =	sand.u32 $0x1F0, s26;
	s29 =	sand.u32 $0x70, s26;
	v1 =	vadd.s32 $0xAAE60, v1  }
0x70: {  	s26 =	smov.u32 s28;
	s29 =	sor.u32 s29, s30;
	[tilespmem:s24+$0x4E00] =	vst v1  }
0x71: {  	v1 =	vld [tilespmem:s29+$0x1000];
	_ =	sdelay $0x4  }
0x72: {  	v1 =	vadd.s32 $0xC3500, v1  }
0x73: {  	[tilespmem:s24+$0x5000] =	vst v1  }
0x74: {  	v1 =	vld [tilespmem:s29+$0x1080];
	_ =	sdelay $0x4  }
0x75: {  	v1 =	vadd.s32 $0xDBBA0, v1  }
0x76: {  	[tilespmem:s24+$0x5200] =	vst v1  }
0x77: {  	v1 =	vld [tilespmem:s29+$0x1100];
	_ =	sdelay $0x4  }
0x78: {  	v1 =	vadd.s32 $0xF4240, v1  }
0x79: {  	[tilespmem:s24+$0x5400] =	vst v1  }
0x7a: {  	v1 =	vld [tilespmem:s29+$0x1180];
	_ =	sdelay $0x4  }
0x7b: {  	v1 =	vadd.s32 $0x10C8E0, v1  }
0x7c: {  	[tilespmem:s24+$0x5600] =	vst v1  }
0x7d: {  	v1 =	vld [tilespmem:s29+$0x1200];
	_ =	sdelay $0x4  }
0x7e: {  	v1 =	vadd.s32 $0x124F80, v1  }
0x7f: {  	[tilespmem:s24+$0x5800] =	vst v1  }
0x80: {  	v1 =	vld [tilespmem:s29+$0x1280]  }
.Ltmp1:
0x81: {  	(pc) =	sbr.rel @p0 .LBB2_4-.Ltmp1, $3  }
0x82: {  	_ =	sdelay $0x1  }
0x83: {  	s25 =	sadd.s32 $0x80, s25  }
0x84: {  	s28 =	sadd.s32 $0x10, s28;
	s29 =	sor.u32 s25, s26;
	v1 =	vadd.s32 $0x13D620, v1  }
0x85: {  	s28 =	sor.u32 $0x380, s29;
	[tilespmem:s24+$0x5A00] =	vst v1  }
0x86: {  	v1 =	vld [tilespmem:s28+$0x0];
	_ =	sdelay $0x4  }
0x87: {  	s24 =	sand.u32 $0x70, s26;
	s25 =	sand.u32 $0xC00, s25;
	s31 =	sand.u32 $0x1F0, s26;
	v1 =	vadd.s32 $0xAAE60, v1  }
0x88: {  	s24 =	sor.u32 s24, s25;
	[tilespmem:s31+$0x4E00] =	vst v1  }
0x89: {  	v1 =	vld [tilespmem:s24+$0x1000];
	_ =	sdelay $0x4  }
0x8a: {  	v1 =	vadd.s32 $0xC3500, v1  }
0x8b: {  	[tilespmem:s31+$0x5000] =	vst v1  }
0x8c: {  	v1 =	vld [tilespmem:s24+$0x1080];
	_ =	sdelay $0x4  }
0x8d: {  	v1 =	vadd.s32 $0xDBBA0, v1  }
0x8e: {  	[tilespmem:s31+$0x5200] =	vst v1  }
0x8f: {  	v1 =	vld [tilespmem:s24+$0x1100];
	_ =	sdelay $0x4  }
0x90: {  	v1 =	vadd.s32 $0xF4240, v1  }
0x91: {  	[tilespmem:s31+$0x5400] =	vst v1  }
0x92: {  	v1 =	vld [tilespmem:s24+$0x1180];
	_ =	sdelay $0x4  }
0x93: {  	v1 =	vadd.s32 $0x10C8E0, v1  }
0x94: {  	[tilespmem:s31+$0x5600] =	vst v1  }
0x95: {  	v1 =	vld [tilespmem:s24+$0x1200];
	_ =	sdelay $0x4  }
0x96: {  	v1 =	vadd.s32 $0x124F80, v1  }
0x97: {  	[tilespmem:s31+$0x5800] =	vst v1  }
0x98: {  	v1 =	vld [tilespmem:s24+$0x1280];
	_ =	sdelay $0x4  }
0x99: {  	s24 =	simm.s32 $0x0;
	v1 =	vadd.s32 $0x13D620, v1  }
0x9a: {  	s26 =	sand.u32 $0x70, s24;
	[tilespmem:s31+$0x5A00] =	vst v1;
	s31 =	sand.u32 $0xC00, s24  }
0x9b: {  	[tilespmem:s14], [sflag:$0x3] =	stream.indirect.gather [hbm4b:s2+s10], $0x1, s13, s10, $0xb8;
	[tilespmem:$0x9200] =	vst v63  }
0x9c: {  	s25 =	sor.u32 s26, s31  }
0x9d: {  	v1 =	vld [tilespmem:s25+$0x1300];
	_ =	sdelay $0x4  }
0x9e: {  	s24 =	sand.u32 $0x1F0, s24;
	v1 =	vadd.s32 $0x155CC0, v1  }
0x9f: {  	[tilespmem:s24+$0x5C00] =	vst v1  }
0xa0: {  	v1 =	vld [tilespmem:s25+$0x1380];
	_ =	sdelay $0x4  }
0xa1: {  	v1 =	vadd.s32 $0x16E360, v1  }
0xa2: {  	[tilespmem:s24+$0x5E00] =	vst v1  }
0xa3: {  	v1 =	vld [tilespmem:s25+$0x2000];
	_ =	sdelay $0x4  }
0xa4: {  	v1 =	vadd.s32 $0x186A00, v1  }
0xa5: {  	[tilespmem:s24+$0x6000] =	vst v1  }
0xa6: {  	v1 =	vld [tilespmem:s25+$0x2080];
	_ =	sdelay $0x4  }
0xa7: {  	v1 =	vadd.s32 $0x19F0A0, v1  }
0xa8: {  	[tilespmem:s24+$0x6200] =	vst v1  }
0xa9: {  	v1 =	vld [tilespmem:s25+$0x2100];
	_ =	sdelay $0x4  }
0xaa: {  	v1 =	vadd.s32 $0x1B7740, v1  }
0xab: {  	[tilespmem:s24+$0x6400] =	vst v1  }
0xac: {  	v1 =	vld [tilespmem:s25+$0x2180];
	_ =	sdelay $0x3  }
0xad: {  	s26 =	simm.s32 $0x80;
	s25 =	simm.s32 $0x10  }
0xae: {  	s28 =	simm.s32 $0x20;
	s30 =	sand.u32 $0xC00, s26;
	s29 =	sand.u32 $0x70, s25;
	v1 =	vadd.s32 $0x1CFDE0, v1  }
.LBB2_6:
0xaf: {  	p0 =	sne.s32 s28, $0x1F0;
	s29 =	sor.u32 s29, s30;
	[tilespmem:s24+$0x6600] =	vst v1  }
0xb0: {  	v1 =	vld [tilespmem:s29+$0x1300];
	_ =	sdelay $0x4  }
0xb1: {  	s24 =	sand.u32 $0x1F0, s25;
	s25 =	smov.u32 s28;
	v1 =	vadd.s32 $0x155CC0, v1  }
0xb2: {  	[tilespmem:s24+$0x5C00] =	vst v1  }
0xb3: {  	v1 =	vld [tilespmem:s29+$0x1380];
	_ =	sdelay $0x4  }
0xb4: {  	v1 =	vadd.s32 $0x16E360, v1  }
0xb5: {  	[tilespmem:s24+$0x5E00] =	vst v1  }
0xb6: {  	v1 =	vld [tilespmem:s29+$0x2000];
	_ =	sdelay $0x4  }
0xb7: {  	v1 =	vadd.s32 $0x186A00, v1  }
0xb8: {  	[tilespmem:s24+$0x6000] =	vst v1  }
0xb9: {  	v1 =	vld [tilespmem:s29+$0x2080];
	_ =	sdelay $0x4  }
0xba: {  	v1 =	vadd.s32 $0x19F0A0, v1  }
0xbb: {  	[tilespmem:s24+$0x6200] =	vst v1  }
0xbc: {  	v1 =	vld [tilespmem:s29+$0x2100];
	_ =	sdelay $0x4  }
0xbd: {  	v1 =	vadd.s32 $0x1B7740, v1  }
0xbe: {  	[tilespmem:s24+$0x6400] =	vst v1  }
0xbf: {  	v1 =	vld [tilespmem:s29+$0x2180]  }
.Ltmp2:
0xc0: {  	(pc) =	sbr.rel @p0 .LBB2_6-.Ltmp2, $3  }
0xc1: {  	_ =	sdelay $0x1  }
0xc2: {  	s26 =	sadd.s32 $0x80, s26  }
0xc3: {  	s28 =	sadd.s32 $0x10, s28;
	s30 =	sand.u32 $0xC00, s26;
	s29 =	sand.u32 $0x70, s25;
	v1 =	vadd.s32 $0x1CFDE0, v1  }
0xc4: {  	s26 =	sor.u32 s29, s30;
	[tilespmem:s24+$0x6600] =	vst v1  }
0xc5: {  	v1 =	vld [tilespmem:s26+$0x1300];
	_ =	sdelay $0x4  }
0xc6: {  	s31 =	sand.u32 $0x1F0, s25;
	v1 =	vadd.s32 $0x155CC0, v1  }
0xc7: {  	[tilespmem:s31+$0x5C00] =	vst v1  }
0xc8: {  	v1 =	vld [tilespmem:s26+$0x1380];
	_ =	sdelay $0x4  }
0xc9: {  	v1 =	vadd.s32 $0x16E360, v1  }
0xca: {  	[tilespmem:s31+$0x5E00] =	vst v1  }
0xcb: {  	v1 =	vld [tilespmem:s26+$0x2000];
	_ =	sdelay $0x4  }
0xcc: {  	v1 =	vadd.s32 $0x186A00, v1  }
0xcd: {  	[tilespmem:s31+$0x6000] =	vst v1  }
0xce: {  	v1 =	vld [tilespmem:s26+$0x2080];
	_ =	sdelay $0x4  }
0xcf: {  	v1 =	vadd.s32 $0x19F0A0, v1  }
0xd0: {  	[tilespmem:s31+$0x6200] =	vst v1  }
0xd1: {  	v1 =	vld [tilespmem:s26+$0x2100];
	_ =	sdelay $0x4  }
0xd2: {  	v1 =	vadd.s32 $0x1B7740, v1  }
0xd3: {  	[tilespmem:s31+$0x6400] =	vst v1  }
0xd4: {  	v1 =	vld [tilespmem:s26+$0x2180];
	_ =	sdelay $0x4  }
0xd5: {  	v1 =	vadd.s32 $0x1CFDE0, v1  }
0xd6: {  	[tilespmem:s31+$0x6600] =	vst v1  }
0xd7: {  	[tilespmem:s17], [sflag:$0x4] =	stream.indirect.gather [hbm4b:s2+s15], $0x1, s16, s15, $0xb8;
	[tilespmem:$0x9200] =	vst v63  }
0xd8: {  	[tilespmem:$0x9000] =	vst v0  }
0xd9: {  	[tilespmem:$0x9010] =	vst v0  }
0xda: {  	[tilespmem:$0x9020] =	vst v0  }
0xdb: {  	[tilespmem:$0x9030] =	vst v0  }
0xdc: {  	[tilespmem:$0x9040] =	vst v0  }
0xdd: {  	[tilespmem:$0x9050] =	vst v0  }
0xde: {  	[tilespmem:$0x9060] =	vst v0  }
0xdf: {  	[tilespmem:$0x9070] =	vst v0  }
0xe0: {  	[tilespmem:$0x9080] =	vst v0  }
0xe1: {  	[tilespmem:$0x9090] =	vst v0  }
0xe2: {  	[tilespmem:$0x90A0] =	vst v0  }
0xe3: {  	[tilespmem:$0x90B0] =	vst v0  }
0xe4: {  	[tilespmem:$0x90C0] =	vst v0  }
0xe5: {  	[tilespmem:$0x90D0] =	vst v0  }
0xe6: {  	[tilespmem:$0x90E0] =	vst v0  }
0xe7: {  	[tilespmem:$0x90F0] =	vst v0  }
0xe8: {  	[tilespmem:$0x9100] =	vst v0  }
0xe9: {  	[tilespmem:$0x9110] =	vst v0  }
0xea: {  	[tilespmem:$0x9120] =	vst v0  }
0xeb: {  	[tilespmem:$0x9130] =	vst v0  }
0xec: {  	[tilespmem:$0x9140] =	vst v0  }
0xed: {  	[tilespmem:$0x9150] =	vst v0  }
0xee: {  	[tilespmem:$0x9160] =	vst v0  }
0xef: {  	[tilespmem:$0x9170] =	vst v0  }
0xf0: {  	[tilespmem:$0x9180] =	vst v0  }
0xf1: {  	[tilespmem:$0x9190] =	vst v0  }
0xf2: {  	[tilespmem:$0x91A0] =	vst v0  }
0xf3: {  	[tilespmem:$0x91B0] =	vst v0  }
0xf4: {  	[tilespmem:$0x91C0] =	vst v0  }
0xf5: {  	[tilespmem:$0x91D0] =	vst v0  }
0xf6: {  	[tilespmem:$0x91E0] =	vst v0  }
0xf7: {  	[tilespmem:$0x91F0] =	vst v0  }
0xf8: {  	_ =	swait.ge [sflag:s18], $0xE00  }
0xf9: {  	[sflag:s18] =	ssyncset.done $0x0  }
0xfa: {  	s25 =	simm.s32 $0x6800;
	[sflag:s18] =	ssyncadd.s32 $0xFFFFF200  }
0xfb: {  	s24 =	simm.s32 $0x9000;
	v1 =	vld [tilespmem:s25+$0x0]  }
0xfc: {  	s28 =	simm.s32 $0x10;
	s26 =	simm.s32 $0x0;
	v2 =	vld [tilespmem:s24+$0x0]  }
.LBB2_8:
0xfd: {  	p0 =	sne.s32 s28, $0x1F0;
	s29 =	sand.u32 $0x1F0, s26;
	s26 =	smov.u32 s28  }
0xfe: {  	v3 =	vld [tilespmem:s29+$0x6A00];
	_ =	sdelay $0x1  }
0xff: {  	v4 =	vld [tilespmem:s29+$0x6C00]  }
0x100: {  	v1 =	vadd.f32 v1, v2  }
0x101: {  	v2 =	vld [tilespmem:s29+$0x6E00]  }
0x102: {  	v1 =	vadd.f32 v3, v1  }
0x103: {  	v3 =	vld [tilespmem:s29+$0x7000]  }
0x104: {  	v1 =	vadd.f32 v4, v1  }
0x105: {  	v4 =	vld [tilespmem:s29+$0x7200]  }
0x106: {  	v1 =	vadd.f32 v2, v1  }
0x107: {  	v2 =	vld [tilespmem:s29+$0x7400]  }
0x108: {  	v1 =	vadd.f32 v3, v1;
	_ =	sdelay $0x1  }
0x109: {  	v1 =	vadd.f32 v4, v1;
	_ =	sdelay $0x1  }
.Ltmp3:
0x10a: {  	v1 =	vadd.f32 v2, v1;
	(pc) =	sbr.rel @p0 .LBB2_8-.Ltmp3, $4  }
0x10b: {  	_ = 	snop  }
0x10c: {  	s25 =	sadd.s32 $0x10, s25;
	[tilespmem:s24+$0x0] =	vst v1  }
0x10d: {  	s24 =	sadd.s32 $0x10, s24;
	v1 =	vld [tilespmem:s25+$0x0]  }
0x10e: {  	s28 =	sadd.s32 $0x10, s28;
	v2 =	vld [tilespmem:s24+$0x0]  }
0x10f: {  	s25 =	sand.u32 $0x1F0, s26  }
0x110: {  	v3 =	vld [tilespmem:s25+$0x6A00];
	_ =	sdelay $0x1  }
0x111: {  	v4 =	vld [tilespmem:s25+$0x6C00]  }
0x112: {  	v1 =	vadd.f32 v1, v2  }
0x113: {  	v2 =	vld [tilespmem:s25+$0x6E00]  }
0x114: {  	v1 =	vadd.f32 v3, v1  }
0x115: {  	v3 =	vld [tilespmem:s25+$0x7000]  }
0x116: {  	v1 =	vadd.f32 v4, v1  }
0x117: {  	v63 =	vld [tilespmem:s25+$0x7200]  }
0x118: {  	v1 =	vadd.f32 v2, v1  }
0x119: {  	v2 =	vld [tilespmem:s25+$0x7400]  }
0x11a: {  	v1 =	vadd.f32 v3, v1;
	_ =	sdelay $0x1  }
0x11b: {  	v1 =	vadd.f32 v63, v1;
	_ =	sdelay $0x1  }
0x11c: {  	v1 =	vadd.f32 v2, v1;
	_ =	sdelay $0x1  }
0x11d: {  	[tilespmem:s24+$0x0] =	vst v1  }
0x11e: {  	_ =	swait.ge [sflag:s19], $0xE00  }
0x11f: {  	s31 =	simm.s32 $0x0;
	[sflag:s19] =	ssyncset.done $0x0  }
0x120: {  	s25 =	sand.u32 $0x1F0, s31;
	[sflag:s19] =	ssyncadd.s32 $0xFFFFF200  }
0x121: {  	s26 =	simm.s32 $0x10;
	s24 =	simm.s32 $0x9000;
	v1 =	vld [tilespmem:s25+$0x7600]  }
.LBB2_10:
0x122: {  	p0 =	sne.s32 s26, $0x1F0;
	v2 =	vld [tilespmem:s24+$0x0];
	_ =	sdelay $0x1  }
0x123: {  	v3 =	vld [tilespmem:s25+$0x7800];
	_ =	sdelay $0x1  }
0x124: {  	v4 =	vld [tilespmem:s25+$0x7A00]  }
0x125: {  	v1 =	vadd.f32 v1, v2  }
0x126: {  	v2 =	vld [tilespmem:s25+$0x7C00]  }
0x127: {  	v1 =	vadd.f32 v3, v1  }
0x128: {  	v3 =	vld [tilespmem:s25+$0x7E00]  }
0x129: {  	v1 =	vadd.f32 v4, v1  }
0x12a: {  	v4 =	vld [tilespmem:s25+$0x8000]  }
0x12b: {  	v1 =	vadd.f32 v2, v1  }
0x12c: {  	v2 =	vld [tilespmem:s25+$0x8200]  }
0x12d: {  	v1 =	vadd.f32 v3, v1;
	_ =	sdelay $0x1  }
0x12e: {  	v1 =	vadd.f32 v4, v1  }
.Ltmp4:
0x12f: {  	(pc) =	sbr.rel @p0 .LBB2_10-.Ltmp4, $3  }
0x130: {  	v1 =	vadd.f32 v2, v1;
	_ =	sdelay $0x1  }
0x131: {  	s25 =	sand.u32 $0x1F0, s26;
	[tilespmem:s24+$0x0] =	vst v1  }
0x132: {  	s26 =	sadd.s32 $0x10, s26;
	s24 =	sadd.s32 $0x10, s24;
	v1 =	vld [tilespmem:s25+$0x7600]  }
0x133: {  	v2 =	vld [tilespmem:s24+$0x0];
	_ =	sdelay $0x1  }
0x134: {  	v3 =	vld [tilespmem:s25+$0x7800];
	_ =	sdelay $0x1  }
0x135: {  	v4 =	vld [tilespmem:s25+$0x7A00]  }
0x136: {  	v1 =	vadd.f32 v1, v2  }
0x137: {  	v2 =	vld [tilespmem:s25+$0x7C00]  }
0x138: {  	v1 =	vadd.f32 v3, v1  }
0x139: {  	v3 =	vld [tilespmem:s25+$0x7E00]  }
0x13a: {  	v1 =	vadd.f32 v4, v1  }
0x13b: {  	v63 =	vld [tilespmem:s25+$0x8000]  }
0x13c: {  	v1 =	vadd.f32 v2, v1  }
0x13d: {  	v2 =	vld [tilespmem:s25+$0x8200]  }
0x13e: {  	v1 =	vadd.f32 v3, v1;
	_ =	sdelay $0x1  }
0x13f: {  	v1 =	vadd.f32 v63, v1;
	_ =	sdelay $0x1  }
0x140: {  	v1 =	vadd.f32 v2, v1;
	_ =	sdelay $0x1  }
0x141: {  	[tilespmem:s24+$0x0] =	vst v1  }
0x142: {  	_ =	swait.ge [sflag:s20], $0xC00  }
0x143: {  	s31 =	simm.s32 $0x0;
	[sflag:s20] =	ssyncset.done $0x0  }
0x144: {  	s25 =	sand.u32 $0x1F0, s31;
	[sflag:s20] =	ssyncadd.s32 $0xFFFFF400  }
0x145: {  	s26 =	simm.s32 $0x10;
	s24 =	simm.s32 $0x9000;
	v1 =	vld [tilespmem:s25+$0x8400]  }
.LBB2_12:
0x146: {  	p0 =	sne.s32 s26, $0x1F0;
	v2 =	vld [tilespmem:s24+$0x0];
	_ =	sdelay $0x1  }
0x147: {  	v3 =	vld [tilespmem:s25+$0x8600];
	_ =	sdelay $0x1  }
0x148: {  	v4 =	vld [tilespmem:s25+$0x8800]  }
0x149: {  	v1 =	vadd.f32 v1, v2  }
0x14a: {  	v2 =	vld [tilespmem:s25+$0x8A00]  }
0x14b: {  	v1 =	vadd.f32 v3, v1  }
0x14c: {  	v3 =	vld [tilespmem:s25+$0x8C00]  }
0x14d: {  	v1 =	vadd.f32 v4, v1  }
0x14e: {  	v4 =	vld [tilespmem:s25+$0x8E00]  }
0x14f: {  	v1 =	vadd.f32 v2, v1;
	_ =	sdelay $0x1  }
0x150: {  	v1 =	vadd.f32 v3, v1  }
.Ltmp5:
0x151: {  	(pc) =	sbr.rel @p0 .LBB2_12-.Ltmp5, $3  }
0x152: {  	v1 =	vadd.f32 v4, v1;
	_ =	sdelay $0x1  }
0x153: {  	s25 =	sand.u32 $0x1F0, s26;
	[tilespmem:s24+$0x0] =	vst v1  }
0x154: {  	s26 =	sadd.s32 $0x10, s26;
	s24 =	sadd.s32 $0x10, s24;
	v1 =	vld [tilespmem:s25+$0x8400]  }
0x155: {  	v2 =	vld [tilespmem:s24+$0x0];
	_ =	sdelay $0x1  }
0x156: {  	v3 =	vld [tilespmem:s25+$0x8600];
	_ =	sdelay $0x1  }
0x157: {  	v4 =	vld [tilespmem:s25+$0x8800]  }
0x158: {  	v1 =	vadd.f32 v1, v2  }
0x159: {  	v2 =	vld [tilespmem:s25+$0x8A00]  }
0x15a: {  	v1 =	vadd.f32 v3, v1  }
0x15b: {  	v3 =	vld [tilespmem:s25+$0x8C00]  }
0x15c: {  	v1 =	vadd.f32 v4, v1  }
0x15d: {  	v63 =	vld [tilespmem:s25+$0x8E00]  }
0x15e: {  	v1 =	vadd.f32 v2, v1;
	_ =	sdelay $0x1  }
0x15f: {  	v1 =	vadd.f32 v3, v1;
	_ =	sdelay $0x1  }
0x160: {  	s23 =	sadd.s32 $0x1, s23;
	v1 =	vadd.f32 v63, v1  }
0x161: {  	p0 =	sne.s32 s23, s6  }
.Ltmp6:
0x162: {  	[tilespmem:s24+$0x0] =	vst v1;
	(pc) =	sbr.rel @p0 .LBB2_1-.Ltmp6, $4  }
0x163: {  	[hbm4b:s5+s3] =	stream.linear.scatter [tilespmem:s21], [sflag:$0x5], $0x200, $0x38;
	[tilespmem:$0x9200] =	vst v63  }
0x164: {  	_ =	swait.ge [sflag:s22], $0x200  }
0x165: {  	[sflag:s22] =	ssyncset.done $0x0  }
0x166: {  	[sflag:s22] =	ssyncadd.s32 $0xFFFFFE00  }
0x167: {  	_ =	sfence.sel $0x180000  }
0x168: {  	[bflag:$0x0] =	sbarrier.arrive $0xFFFF  }
0x169: {  	p0 =	sne.s32 s0, $0x0;
	_ =	strace $0x90000047  }
0x16a: {  	s0 =	sadd.s32 @!p0 $0x100000, s1;
	[bflag:$0x2] =	sbarrier.arrive $0xFFFF  }
0x16b: {  	[sflag:s0] =	ssyncadd.tile.s32 @!p0 $0x1;
	_ =	shalt  }
.Lfunc_end2:
_tile_overlayer_lowered:
.L_overlay_start_2:
0x16c: {  	(tag) =	ssettag $0x2  }
0x16d: {  	s0 =	rddreg [dreg:$0x0];
	s2 =	stileid.u32  }
0x16e: {  	s1 =	rddreg [dreg:$0x1];
	p0 =	sne.s32 s2, $0x0  }
0x16f: {  	s3 =	rddreg [dreg:$0x2];
	[bflag:$0x3] =	sbarrier.arrive $0xFFFF;
	s2 =	simm.s32 @!p0 $0x1C05  }
0x170: {  	[timem:s3], [sflag:s2] =	dma.local @!p0 [hbm:s0], s1  }
0x171: {  	s0 =	simm.s32 @!p0 $0x5  }
0x172: {  	_ =	swait.ge @!p0 [sflag:s0], s1  }
0x173: {  	s1 =	ssub.s32 @!p0 $0x0, s1;
	[sflag:s0] =	ssyncset.done @!p0 $0x0  }
0x174: {  	[sflag:s0] =	ssyncadd.s32 @!p0 s1  }
0x175: {  	[bflag:$0x3] =	sbarrier.arrive $0xFFFF  }
0x176: {  	_ =	shalt  }

// kernel: _lrmodel_sc.7.cloned.1.call-start
scs
__scs_entry_jumppad:
0x0: {  	(pc) =	sbr.rel $0x88, $3  }
0x1: {  	(tag) =	ssettag $0x0;
	lr =	simm.s32 $0x1  }
0x2: {  	[smem:$0x3F9A] =	sst lr;
	_ =	strace $0xD0000000  }
0x3: {  	_ = 	snop  }
0x4: {  	_ = 	snop  }
0x5: {  	_ = 	snop  }
0x6: {  	_ = 	snop  }
0x7: {  	_ = 	snop  }
__scs_overlays_trampoline_lowered:
0x8: {  	[smem:$0x3FA9] =	sst s0  }
0x9: {  	[smem:$0x3FAA] =	sst s1  }
0xa: {  	[smem:$0x3FAB] =	sst s2  }
0xb: {  	[smem:$0x3FAC] =	sst s3  }
0xc: {  	[smem:$0x3FAD] =	sst s4  }
0xd: {  	[smem:$0x3FAE] =	sst s5  }
0xe: {  	[smem:$0x3FAF] =	sst s6  }
0xf: {  	[smem:$0x3FB0] =	sst s7  }
0x10: {  	[smem:$0x3FB1] =	sst s8  }
0x11: {  	[smem:$0x3FB2] =	sst s9;
	s0 =	simm.s32 @!p0 $0x0  }
0x12: {  	s1 =	sld [smem:$0x3F98];
	s0 =	simm.s32 @p0 $0x1  }
0x13: {  	[smem:$0x3FB3] =	sst s0;
	s0 =	simm.s32 @!p1 $0x0  }
0x14: {  	s2 =	sld [smem:$0x3F97];
	s0 =	simm.s32 @p1 $0x1  }
0x15: {  	[smem:$0x3FB4] =	sst s0;
	s0 =	simm.s32 @!p2 $0x0  }
0x16: {  	s3 =	sld [smem:$0x3FDB];
	s0 =	simm.s32 @p2 $0x1  }
0x17: {  	s4 =	simm.s32 $0x1BF5;
	[smem:$0x3FB6] =	sst s0  }
0x18: {  	s0 =	sld [smem:$0x3F99];
	_ =	swait.ge [sflag:s4], $0x0  }
0x19: {  	s7 =	sld [smem:$0x3F9A]  }
0x1a: {  	s8 =	sadd.s32 $0xFFFFE003, lr  }
0x1b: {  	s9 =	sadd.s32 $0xFFFFFEF7, lr;
	s5 =	simm.s32 $0xFFFFFFFF;
	p2 =	slt.u32 s8, $0xFFFFF086  }
0x1c: {  	p1 =	slt.u32 s9, $0xF7A;
	s5 =	simm.s32 @!p2 $0x0  }
0x1d: {  	s5 =	simm.s32 @p1 $0x1;
	p0 =	seq.s32 s7, s2  }
0x1e: {  	s7 =	smul.u32 @!p0 $0xF7A, s2;
	p2 =	seq.s32 @!p0 s5, $0x0  }
0x1f: {  	s9 =	smul.u32 $0xF7A, s1;
	s8 =	simm.s32 @!p0 $0x1BF5;
	p2 =	por !p2, p0  }
0x20: {  	[sflag:s8] =	ssyncset.s32 @!p0 $0xFFFFF086;
	s6 =	sadd.s32 @!p0 s3, s7;
	s7 =	simm.s32 @!p0 $0x108  }
0x21: {  	s3 =	sadd.s32 s3, s9;
	s6 =	sadd.s32 @!p0 $0x88, s6;
	s7 =	simm.s32 @p2 $0x1082  }
0x22: {  	[simem:s7], [sflag:s8] =	dma.local @!p0 [hbm:s6], $0xF7A  }
0x23: {  	s9 =	sor.u32 $0xD0000000, s2;
	s6 =	simm.s32 $0x108;
	_ =	swait.ge @!p0 [sflag:s8], $0x0  }
0x24: {  	s3 =	sadd.s32 $0x88, s3;
	s6 =	simm.s32 @!p1 $0x1082;
	[sflag:s4] =	ssyncset.s32 $0xFFFFF086  }
0x25: {  	[simem:s6], [sflag:s4] =	dma.local [hbm:s3], $0xF7A  }
0x26: {  	[smem:$0x3F9A] =	sst s1;
	(tag) =	ssettag s2;
	_ =	strace s9  }
0x27: {  	s1 =	sld [smem:$0x3FAA]  }
0x28: {  	s2 =	sld [smem:$0x3FAB]  }
0x29: {  	s4 =	sld [smem:$0x3FAD]  }
0x2a: {  	p0 =	seq.s32 s5, $0x0;
	s5 =	sld [smem:$0x3FAE]  }
0x2b: {  	s6 =	sld [smem:$0x3FAF]  }
0x2c: {  	s7 =	sld [smem:$0x3FB0]  }
0x2d: {  	s3 =	simm.s32 $0x108;
	s8 =	sld [smem:$0x3FB1]  }
0x2e: {  	s3 =	simm.s32 @!p0 $0x1082;
	s9 =	sld [smem:$0x3FB2]  }
0x2f: {  	lr =	sadd.s32 s0, s3;
	s0 =	sld [smem:$0x3FA9]  }
0x30: {  	s3 =	sld [smem:$0x3FAC]  }
0x31: {  	[smem:$0x3FB5] =	sst s10  }
0x32: {  	s10 =	sld [smem:$0x3FB3];
	_ =	sdelay $0x3  }
0x33: {  	p0 =	seq.s32 s10, $0x1;
	s10 =	sld [smem:$0x3FB5];
	_ =	sdelay $0x3  }
0x34: {  	[smem:$0x3FB5] =	sst s10  }
0x35: {  	s10 =	sld [smem:$0x3FB4];
	_ =	sdelay $0x3  }
0x36: {  	p1 =	seq.s32 s10, $0x1;
	s10 =	sld [smem:$0x3FB5];
	_ =	sdelay $0x3  }
0x37: {  	[smem:$0x3FB5] =	sst s10  }
0x38: {  	s10 =	sld [smem:$0x3FB6]  }
0x39: {  	_ = 	snop;
	(pc) =	sbr.ind lr, $3  }
0x3a: {  	_ = 	snop  }
0x3b: {  	_ = 	snop  }
0x3c: {  	p2 =	seq.s32 s10, $0x1;
	s10 =	sld [smem:$0x3FB5]  }
0x3d: {  	_ =	shalt  }
0x3e: {  	_ =	shalt  }
0x3f: {  	_ =	shalt  }
0x40: {  	_ =	shalt  }
0x41: {  	_ =	shalt  }
0x42: {  	_ =	shalt  }
0x43: {  	_ =	shalt  }
0x44: {  	_ =	shalt  }
0x45: {  	_ =	shalt  }
0x46: {  	_ =	shalt  }
0x47: {  	_ =	shalt  }
0x48: {  	_ =	shalt  }
0x49: {  	_ =	shalt  }
0x4a: {  	_ =	shalt  }
0x4b: {  	_ =	shalt  }
0x4c: {  	_ =	shalt  }
0x4d: {  	_ =	shalt  }
0x4e: {  	_ =	shalt  }
0x4f: {  	_ =	shalt  }
0x50: {  	_ =	shalt  }
0x51: {  	_ =	shalt  }
0x52: {  	_ =	shalt  }
0x53: {  	_ =	shalt  }
0x54: {  	_ =	shalt  }
0x55: {  	_ =	shalt  }
0x56: {  	_ =	shalt  }
0x57: {  	_ =	shalt  }
0x58: {  	_ =	shalt  }
0x59: {  	_ =	shalt  }
0x5a: {  	_ =	shalt  }
0x5b: {  	_ =	shalt  }
0x5c: {  	_ =	shalt  }
0x5d: {  	_ =	shalt  }
0x5e: {  	_ =	shalt  }
0x5f: {  	_ =	shalt  }
0x60: {  	_ =	shalt  }
0x61: {  	_ =	shalt  }
0x62: {  	_ =	shalt  }
0x63: {  	_ =	shalt  }
0x64: {  	_ =	shalt  }
0x65: {  	_ =	shalt  }
0x66: {  	_ =	shalt  }
0x67: {  	_ =	shalt  }
0x68: {  	_ =	shalt  }
0x69: {  	_ =	shalt  }
0x6a: {  	_ =	shalt  }
0x6b: {  	_ =	shalt  }
0x6c: {  	_ =	shalt  }
0x6d: {  	_ =	shalt  }
0x6e: {  	_ =	shalt  }
0x6f: {  	_ =	shalt  }
0x70: {  	_ =	shalt  }
0x71: {  	_ =	shalt  }
0x72: {  	_ =	shalt  }
0x73: {  	_ =	shalt  }
0x74: {  	_ =	shalt  }
0x75: {  	_ =	shalt  }
0x76: {  	_ =	shalt  }
0x77: {  	_ =	shalt  }
0x78: {  	_ =	shalt  }
0x79: {  	_ =	shalt  }
0x7a: {  	_ =	shalt  }
0x7b: {  	_ =	shalt  }
0x7c: {  	_ =	shalt  }
0x7d: {  	_ =	shalt  }
0x7e: {  	_ =	shalt  }
0x7f: {  	_ =	shalt  }
0x80: {  	_ =	shalt  }
0x81: {  	_ =	shalt  }
0x82: {  	_ =	shalt  }
0x83: {  	_ =	shalt  }
0x84: {  	_ =	shalt  }
0x85: {  	_ =	shalt  }
0x86: {  	_ =	shalt  }
0x87: {  	_ =	shalt  }
.Lfunc_end0:
.L_simem_size_0:
called_computation.1_lowered:
.L_overlay_start_0:
0x88: {  	s2 =	sld [smem:$0x3FD9]  }
0x89: {  	s3 =	sld [smem:$0x3FFE];
	_ =	sdelay $0x1  }
0x8a: {  	s1 =	srdreg.scid  }
0x8b: {  	s0 =	sand.u32 $0x1, s1  }
0x8c: {  	s17 =	sshll.u32 s0, $0xA;
	s2 =	sadd.s32 s3, s2  }
0x8d: {  	s2 =	sadd.s32 s2, s17  }
0x8e: {  	[smem:$0x3FC1] =	sst s2  }
0x8f: {  	_ = 	snop  }
0x90: {  	s2 =	sld [smem:$0x3FC9]  }
0x91: {  	s18 =	sld [smem:$0x3FC8]  }
0x92: {  	s4 =	sld [smem:$0x3FC6]  }
0x93: {  	s5 =	sld [smem:$0x3FC5]  }
0x94: {  	s6 =	sld [smem:$0x3FC4]  }
0x95: {  	s7 =	sld [smem:$0x3FC3]  }
0x96: {  	s8 =	sld [smem:$0x3FD0];
	(tm) =	ssettm $0x1  }
0x97: {  	s9 =	sld [smem:$0x3FFB];
	_ =	sdelay $0x3  }
0x98: {  	_ =	strace s9  }
0x99: {  	s9 =	sld [smem:$0x3FFC];
	_ =	sdelay $0x3  }
0x9a: {  	_ =	strace s9  }
0x9b: {  	s9 =	sld [smem:$0x3FFD];
	_ =	sdelay $0x3  }
0x9c: {  	_ =	strace s9  }
0x9d: {  	_ =	strace $0x8FFFFFFF  }
0x9e: {  	s19 =	sld [smem:$0x3FDB];
	_ =	sdelay $0x1  }
0x9f: {  	s10 =	simm.s32 $_scs_section_size  }
0xa0: {  	s11 =	simm.s32 $_size__tile_overlayer_lowered;
	s12 =	simm.s32 $_tile_overlayer_lowered  }
0xa1: {  	s22 =	simm.s32 $0x1BFF;
	s21 =	sshll.u32 s12, $0x1;
	s9 =	sadd.s32 s10, s19  }
0xa2: {  	s13 =	simm.s32 $0x0;
	s20 =	sshll.u32 s11, $0x1;
	s11 =	sadd.s32 s21, s9  }
0xa3: {  	[timem:s13], [sflag:s22] =	dma.local [hbm:s11], s20  }
0xa4: {  	_ =	swait.ge [sflag:s22], s20  }
0xa5: {  	s10 =	ssub.s32 $0x0, s20;
	[sflag:s22] =	ssyncset.done $0x0  }
0xa6: {  	[sflag:s22] =	ssyncadd.s32 s10;
	_ =	sdelay $0x1  }
0xa7: {  	s23 =	simm.s32 $0x1B8B  }
0xa8: {  	_ =	swait.ge [sflag:s23], $0x1  }
0xa9: {  	[sflag:s23] =	ssyncset.done $0x0  }
0xaa: {  	s25 =	simm.s32 $0x1B8E;
	s24 =	sld [smem:$0x3FFE];
	[sflag:s23] =	ssyncadd.s32 $0xFFFFFFFF  }
0xab: {  	s26 =	simm.s32 $execute0_lowered;
	[smem:$0x3FD2] =	sst s25  }
0xac: {  	s11 =	sshll.u32 s26, $0x1;
	_ =	strace $0x80000049;
	[dreg:$0x1] =	wrdreg $0xFFFFFFFF  }
0xad: {  	s28 =	simm.s32 $_size_execute0_lowered;
	s9 =	sadd.s32 s9, s11;
	[dreg:$0x0] =	wrdreg $0x0  }
0xae: {  	s11 =	sshll.u32 s28, $0x1;
	[dreg:$0x2] =	wrdreg s9  }
0xaf: {  	[dreg:$0x3] =	wrdreg s11  }
0xb0: {  	[dreg:$0x4] =	wrdreg $0xC0  }
0xb1: {  	_ =	task [dreg:s13], $0x5FFFF  }
0xb2: {  	[dreg:$0x1] =	wrdreg $0xFFFFFFFF  }
0xb3: {  	[dreg:$0x0] =	wrdreg $0x60  }
0xb4: {  	[dreg:$0x2] =	wrdreg s2  }
0xb5: {  	[dreg:$0x3] =	wrdreg s18  }
0xb6: {  	[dreg:$0x4] =	wrdreg s4  }
0xb7: {  	[dreg:$0x5] =	wrdreg s5  }
0xb8: {  	[dreg:$0x6] =	wrdreg s6  }
0xb9: {  	[dreg:$0x7] =	wrdreg s7  }
0xba: {  	[dreg:$0x8] =	wrdreg s24  }
0xbb: {  	[dreg:$0x9] =	wrdreg s8  }
0xbc: {  	[dreg:$0xa] =	wrdreg $0x9  }
0xbd: {  	_ =	task.clear_ibuf [dreg:s13], $0xBFFFF;
	_ =	strace $0x90000049  }
0xbe: {  	s29 =	simm.s32 $0x9;
	_ =	strace $0x8000004B  }
0xbf: {  	_ =	swait.ge [sflag:s29], $0x1  }
0xc0: {  	[sflag:s29] =	ssyncadd.s32 $0xFFFFFFFF  }
0xc1: {  	_ =	strace $0x9000004B  }
0xc2: {  	_ =	sfence  }
0xc3: {  	s30 =	sld [smem:$0x0];
	_ =	sdelay $0x2  }
0xc4: {  	s31 =	sshll.u32 s1, $0xD;
	s1 =	sshrl.u32 s1, $0x2  }
0xc5: {  	s3 =	sand.u32 $0x4000, s31;
	s1 =	sadd.s32 s1, s30  }
0xc6: {  	s0 =	sor.u32 s3, s0;
	s1 =	sshll.u32 s1, $0x11  }
0xc7: {  	s0 =	sor.u32 s1, s0  }
0xc8: {  	s0 =	sadd.s32 $0x8F2B, s0  }
0xc9: {  	[sflag:s0] =	ssyncadd.remote.s32 $0x1  }
0xca: {  	_ =	sfence.sel $0xFFFF  }
0xcb: {  	[dreg:$0x0] =	wrdreg $0xFFFFFFFF;
	(pc) =	sbr.abs _section_cstart, $3  }
0xcc: {  	[dreg:$0x1] =	wrdreg $0xFFFFFFFF  }
0xcd: {  	_ =	task.clear_ibuf [dreg:s13], $0x2FFFF;
	_ =	strace $0x9FFFFFFF  }
0xce: {  	(tm) =	ssettm $0x7FFFFFFF  }
0xcf: {  	_ =	shalt  }
tec
execute0_lowered:
.L_overlay_start_1:
0x0: {  	(tag) =	ssettag $0x1  }
0x1: {  	s0 =	rddreg [dreg:$0x0]  }
0x2: {  	s1 =	rddreg [dreg:$0x1]  }
0x3: {  	s4 =	rddreg [dreg:$0x5]  }
0x4: {  	s2 =	rddreg [dreg:$0x6]  }
0x5: {  	s3 =	rddreg [dreg:$0x7]  }
0x6: {  	s5 =	srdreg.scid;
	s7 =	stileid.u32;
	s6 =	simm.s32 $0x0  }
0x7: {  	s12 =	simm.s32 $0x1000;
	s13 =	simm.s32 $0x20000;
	s14 =	simm.s32 $0x5800  }
0x8: {  	s15 =	simm.s32 $0x7980;
	s16 =	simm.s32 $0x7800;
	s17 =	simm.s32 $0x5  }
0x9: {  	s18 =	simm.s32 $0x7880;
	s19 =	simm.s32 $0x7900;
	s20 =	simm.s32 $0x1  }
0xa: {  	s21 =	simm.s32 $0xC00;
	s22 =	simm.s32 $0x4000;
	s23 =	simm.s32 $0x4C00  }
0xb: {  	s24 =	simm.s32 $0x2;
	s25 =	simm.s32 $0x3;
	s26 =	simm.s32 $0x4  }
0xc: {  	s28 =	simm.s32 $0x7B80;
	s29 =	simm.s32 $0x0;
	s5 =	sand.u32 $0x1, s5  }
0xd: {  	s7 =	sshll.u32 s7, $0xA;
	s8 =	sshll.u32 s5, $0x9;
	s5 =	ssub.s32 $0x2, s5  }
0xe: {  	[smem:$0x7FF] =	sst s6;
	s8 =	sor.u32 s8, s7;
	s31 =	sshrl.u32 s5, $0x1  }
0xf: {  	_ =	strace $0x8000004A;
	s10 =	sshrl.u32 s8, $0x3;
	s5 =	ssub.s32 s5, s31  }
0x10: {  	s7 =	sadd.s32 s0, s8;
	s8 =	sadd.s32 s1, s8;
	s2 =	sadd.s32 s10, s2  }
0x11: {  	s10 =	sadd.s32 s3, s10;
	s11 =	smax.u32 s5, $0x1;
	s9 =	sadd.s32 $0x800, s2  }
.LBB2_1:
0x12: {  	[tilespmem:s6], [sflag:$0x1] =	stream.strided.gather [hbm4b:s7+s12], $0x4000, s13, s12, $0x38;
	[tilespmem:$0x7D80] =	vst v63  }
0x13: {  	_ = 	snop  }
0x14: {  	[tilespmem:s14], [sflag:$0x2] =	stream.strided.gather [hbm4b:s8+s12], $0x2000, s13, s12, $0x38;
	[tilespmem:$0x7D80] =	vst v63  }
0x15: {  	_ = 	snop  }
0x16: {  	[tilespmem:s15], [sflag:$0x3] =	stream.linear.gather [hbm4b:s9+s6], $0x200, $0x38;
	[tilespmem:$0x7D80] =	vst v63  }
0x17: {  	s0 =	rddreg [dreg:$0x3]  }
0x18: {  	[tilespmem:s16], [sflag:$0x5] =	stream.linear.gather [hbm4b:s0+s6], $0xD, $0x38;
	[tilespmem:$0x7D80] =	vst v63  }
0x19: {  	_ =	swait.ge [sflag:s17], $0xD  }
0x1a: {  	[sflag:s17] =	ssyncset.done $0x0  }
0x1b: {  	[sflag:s17] =	ssyncadd.s32 $0xFFFFFFF3  }
0x1c: {  	s3 =	rddreg [dreg:$0x4]  }
0x1d: {  	[tilespmem:s18], [sflag:$0x5] =	stream.linear.gather [hbm4b:s3+s6], $0x1, $0x38;
	[tilespmem:$0x7D80] =	vst v63  }
0x1e: {  	_ =	swait.ge [sflag:s17], $0x1  }
0x1f: {  	[sflag:s17] =	ssyncset.done $0x0  }
0x20: {  	[sflag:s17] =	ssyncadd.s32 $0xFFFFFFFF  }
0x21: {  	[tilespmem:s19], [sflag:$0x5] =	stream.linear.gather [hbm4b:s4+s6], $0x1, $0x38;
	[tilespmem:$0x7D80] =	vst v63  }
0x22: {  	_ =	swait.ge [sflag:s17], $0x1  }
0x23: {  	[sflag:s17] =	ssyncset.done $0x0  }
0x24: {  	[sflag:s17] =	ssyncadd.s32 $0xFFFFFFFF  }
0x25: {  	_ =	swait.ge [sflag:s20], $0x4000  }
0x26: {  	s5 =	sand.u32 $0x70, s6;
	s1 =	sand.u32 $0xC00, s6;
	[sflag:s20] =	ssyncset.done $0x0  }
0x27: {  	s0 =	sor.u32 s5, s1;
	[sflag:s20] =	ssyncadd.s32 $0xFFFFC000  }
0x28: {  	v3 =	vld [tilespmem:s0+$0x2200];
	_ =	sdelay $0x2  }
0x29: {  	v2 =	vld [tilespmem:$0x7880]  }
0x2a: {  	v1 =	vld [tilespmem:$0x7900]  }
0x2b: {  	v0 =	vld [tilespmem:$0x7800];
	[tilespmem:s22+$0x0] =	vst v3  }
0x2c: {  	v3 =	vld [tilespmem:s0+$0x2280];
	_ =	sdelay $0x4  }
0x2d: {  	s30 =	sand.u32 $0x1F0, s6;
	v3 =	vadd.s32 $0x186A0, v3  }
0x2e: {  	[tilespmem:s30+$0x4200] =	vst v3  }
0x2f: {  	v3 =	vld [tilespmem:s0+$0x2300];
	_ =	sdelay $0x4  }
0x30: {  	v3 =	vadd.s32 $0x30D40, v3  }
0x31: {  	[tilespmem:s30+$0x4400] =	vst v3  }
0x32: {  	v3 =	vld [tilespmem:s0+$0x2380];
	_ =	sdelay $0x4  }
0x33: {  	v3 =	vadd.s32 $0x493E0, v3  }
0x34: {  	[tilespmem:s30+$0x4600] =	vst v3  }
0x35: {  	v3 =	vld [tilespmem:s0+$0x3000];
	_ =	sdelay $0x4  }
0x36: {  	v3 =	vadd.s32 $0x61A80, v3  }
0x37: {  	[tilespmem:s30+$0x4800] =	vst v3  }
0x38: {  	v3 =	vld [tilespmem:s0+$0x3080];
	_ =	sdelay $0x3  }
0x39: {  	s31 =	simm.s32 $0x20;
	s1 =	simm.s32 $0x80;
	s0 =	simm.s32 $0x10  }
0x3a: {  	s5 =	simm.s32 $0x4000;
	s3 =	sand.u32 $0xC00, s1;
	s2 =	sand.u32 $0x70, s0;
	v3 =	vadd.s32 $0x7A120, v3  }
.LBB2_2:
0x3b: {  	p0 =	sne.s32 s31, $0x1F0;
	s2 =	sor.u32 s2, s3;
	[tilespmem:s30+$0x4A00] =	vst v3  }
0x3c: {  	v3 =	vld [tilespmem:s2+$0x2200];
	_ =	sdelay $0x3  }
0x3d: {  	s5 =	sadd.s32 $0x10, s5  }
0x3e: {  	[tilespmem:s5+$0x0] =	vst v3  }
0x3f: {  	v3 =	vld [tilespmem:s2+$0x2280];
	_ =	sdelay $0x4  }
0x40: {  	s30 =	sand.u32 $0x1F0, s0;
	s0 =	smov.u32 s31;
	v3 =	vadd.s32 $0x186A0, v3  }
0x41: {  	[tilespmem:s30+$0x4200] =	vst v3  }
0x42: {  	v3 =	vld [tilespmem:s2+$0x2300];
	_ =	sdelay $0x4  }
0x43: {  	v3 =	vadd.s32 $0x30D40, v3  }
0x44: {  	[tilespmem:s30+$0x4400] =	vst v3  }
0x45: {  	v3 =	vld [tilespmem:s2+$0x2380];
	_ =	sdelay $0x4  }
0x46: {  	v3 =	vadd.s32 $0x493E0, v3  }
0x47: {  	[tilespmem:s30+$0x4600] =	vst v3  }
0x48: {  	v3 =	vld [tilespmem:s2+$0x3000];
	_ =	sdelay $0x4  }
0x49: {  	v3 =	vadd.s32 $0x61A80, v3  }
0x4a: {  	[tilespmem:s30+$0x4800] =	vst v3  }
0x4b: {  	v3 =	vld [tilespmem:s2+$0x3080]  }
.Ltmp0:
0x4c: {  	(pc) =	sbr.rel @p0 .LBB2_2-.Ltmp0, $3  }
0x4d: {  	_ =	sdelay $0x1  }
0x4e: {  	s1 =	sadd.s32 $0x80, s1  }
0x4f: {  	s31 =	sadd.s32 $0x10, s31;
	s3 =	sand.u32 $0xC00, s1;
	s2 =	sand.u32 $0x70, s0;
	v3 =	vadd.s32 $0x7A120, v3  }
0x50: {  	s1 =	sor.u32 s2, s3;
	[tilespmem:s30+$0x4A00] =	vst v3  }
0x51: {  	v3 =	vld [tilespmem:s1+$0x2200];
	_ =	sdelay $0x3  }
0x52: {  	s5 =	sadd.s32 $0x10, s5  }
0x53: {  	[tilespmem:s5+$0x0] =	vst v3  }
0x54: {  	v3 =	vld [tilespmem:s1+$0x2280];
	_ =	sdelay $0x4  }
0x55: {  	s0 =	sand.u32 $0x1F0, s0;
	v3 =	vadd.s32 $0x186A0, v3  }
0x56: {  	[tilespmem:s0+$0x4200] =	vst v3  }
0x57: {  	v3 =	vld [tilespmem:s1+$0x2300];
	_ =	sdelay $0x4  }
0x58: {  	v3 =	vadd.s32 $0x30D40, v3  }
0x59: {  	[tilespmem:s0+$0x4400] =	vst v3  }
0x5a: {  	v3 =	vld [tilespmem:s1+$0x2380];
	_ =	sdelay $0x3  }
0x5b: {  	(v2sf) =	vpush v2, $0x0  }
0x5c: {  	(v2sf) =	vpush v1, $0x0;
	v2 =	vadd.s32 $0x493E0, v3  }
0x5d: {  	[tilespmem:s0+$0x4600] =	vst v2  }
0x5e: {  	v1 =	vld [tilespmem:s1+$0x3000];
	_ =	sdelay $0x4  }
0x5f: {  	v1 =	vadd.s32 $0x61A80, v1  }
0x60: {  	[tilespmem:s0+$0x4800] =	vst v1  }
0x61: {  	v1 =	vld [tilespmem:s1+$0x3080];
	_ =	sdelay $0x4  }
0x62: {  	s1 =	spop (v2sf);
	v1 =	vadd.s32 $0x7A120, v1  }
0x63: {  	s3 =	rddreg [dreg:$0x2];
	[tilespmem:s0+$0x4A00] =	vst v1;
	s0 =	spop (v2sf)  }
0x64: {  	[tilespmem:s23], [sflag:$0x4] =	stream.indirect.gather [hbm4b:s3+s21], $0x1, s22, s21, $0xb8;
	[tilespmem:$0x7D80] =	vst v63  }
0x65: {  	_ =	swait.ge [sflag:s24], $0x2000  }
0x66: {  	[sflag:s24] =	ssyncset.done $0x0  }
0x67: {  	[sflag:s24] =	ssyncadd.s32 $0xFFFFE000  }
0x68: {  	s2 =	simm.s32 $0x0;
	_ =	swait.ge [sflag:s25], $0x200  }
0x69: {  	s30 =	sand.u32 $0xC00, s2;
	[sflag:s25] =	ssyncset.done $0x0  }
0x6a: {  	s5 =	sand.u32 $0x70, s2;
	s3 =	simm.s32 $0x7980;
	[sflag:s25] =	ssyncadd.s32 $0xFFFFFE00  }
0x6b: {  	v3 =	vld [tilespmem:s3+$0x0];
	s3 =	sor.u32 s5, s30  }
0x6c: {  	v5 =	vld [tilespmem:s3+$0x5800];
	_ =	sdelay $0x1  }
0x6d: {  	s0 =	sadd.f32 s0, s1;
	v6 =	vld [tilespmem:s3+$0x5880]  }
0x6e: {  	v1 =	vbroadcast v0, $0x0  }
0x6f: {  	v4 =	vmov s0;
	v7 =	vld [tilespmem:s3+$0x5900]  }
0x70: {  	v2 =	vbroadcast v0, $0x1;
	v8 =	vadd.f32 v3, v4;
	v5 =	vmul.f32 v5, v1  }
0x71: {  	v9 =	vld [tilespmem:s3+$0x5980]  }
0x72: {  	v3 =	vbroadcast v0, $0x2;
	v6 =	vmul.f32 v6, v2;
	v8 =	vadd.f32 v5, v8  }
0x73: {  	v10 =	vld [tilespmem:s3+$0x5A00]  }
0x74: {  	v7 =	vmul.f32 v7, v3;
	v5 =	vbroadcast v0, $0x3;
	v8 =	vadd.f32 v6, v8  }
0x75: {  	v11 =	vld [tilespmem:s3+$0x5A80]  }
0x76: {  	v6 =	vbroadcast v0, $0x4;
	v9 =	vmul.f32 v9, v5;
	v8 =	vadd.f32 v7, v8  }
0x77: {  	s5 =	sor.u32 s2, s2;
	v12 =	vld [tilespmem:s3+$0x5B00]  }
0x78: {  	s0 =	sor.u32 $0x380, s5;
	v7 =	vbroadcast v0, $0x5;
	v10 =	vmul.f32 v10, v6;
	v9 =	vadd.f32 v9, v8  }
0x79: {  	v13 =	vld [tilespmem:s0+$0x5800]  }
0x7a: {  	v8 =	vbroadcast v0, $0x6;
	v11 =	vmul.f32 v11, v7;
	v10 =	vadd.f32 v10, v9  }
0x7b: {  	v14 =	vld [tilespmem:s3+$0x6800]  }
0x7c: {  	v9 =	vbroadcast v0, $0x7;
	v12 =	vmul.f32 v12, v8;
	v11 =	vadd.f32 v11, v10  }
0x7d: {  	v15 =	vld [tilespmem:s3+$0x6880]  }
0x7e: {  	v10 =	vbroadcast v0, $0x8;
	v13 =	vmul.f32 v13, v9;
	v12 =	vadd.f32 v12, v11  }
0x7f: {  	v16 =	vld [tilespmem:s3+$0x6900]  }
0x80: {  	v11 =	vbroadcast v0, $0x9;
	v14 =	vmul.f32 v14, v10;
	v13 =	vadd.f32 v13, v12  }
0x81: {  	v17 =	vld [tilespmem:s3+$0x6980]  }
0x82: {  	v12 =	vbroadcast v0, $0xA;
	v15 =	vmul.f32 v15, v11;
	v14 =	vadd.f32 v14, v13  }
0x83: {  	v18 =	vld [tilespmem:s3+$0x6A00]  }
0x84: {  	v13 =	vbroadcast v0, $0xB;
	v14 =	vadd.f32 v15, v14;
	v15 =	vmul.f32 v16, v12;
	_ =	sdelay $0x1  }
0x85: {  	v0 =	vbroadcast v0, $0xC;
	v14 =	vadd.f32 v15, v14;
	v15 =	vmul.f32 v17, v13;
	_ =	sdelay $0x1  }
0x86: {  	v14 =	vadd.f32 v15, v14;
	v15 =	vmul.f32 v18, v0;
	_ =	sdelay $0x1  }
0x87: {  	s31 =	simm.s32 $0x10;
	v14 =	vadd.f32 v15, v14  }
0x88: {  	s1 =	simm.s32 $0x80;
	s30 =	simm.s32 $0x7B80;
	s2 =	sand.u32 $0x70, s31  }
0x89: {  	s5 =	simm.s32 $0x7990;
	s3 =	sand.u32 $0xC00, s1;
	s0 =	simm.s32 $0x20;
	[tilespmem:s30+$0x0] =	vst v14  }
.LBB2_4:
0x8a: {  	p0 =	sne.s32 s0, $0x1F0;
	v14 =	vld [tilespmem:s5+$0x0];
	s2 =	sor.u32 s2, s3  }
0x8b: {  	v15 =	vld [tilespmem:s2+$0x5800];
	_ =	sdelay $0x1  }
0x8c: {  	v16 =	vld [tilespmem:s2+$0x5880];
	_ =	sdelay $0x1  }
0x8d: {  	v17 =	vld [tilespmem:s2+$0x5900]  }
0x8e: {  	v14 =	vadd.f32 v14, v4;
	v15 =	vmul.f32 v15, v1  }
0x8f: {  	v18 =	vld [tilespmem:s2+$0x5980]  }
0x90: {  	v14 =	vadd.f32 v15, v14;
	v15 =	vmul.f32 v16, v2  }
0x91: {  	v16 =	vld [tilespmem:s2+$0x5A00]  }
0x92: {  	v14 =	vadd.f32 v15, v14;
	v15 =	vmul.f32 v17, v3  }
0x93: {  	v17 =	vld [tilespmem:s2+$0x5A80]  }
0x94: {  	v14 =	vadd.f32 v15, v14;
	v15 =	vmul.f32 v18, v5  }
0x95: {  	s3 =	sor.u32 s1, s31;
	s31 =	smov.u32 s0;
	v18 =	vld [tilespmem:s2+$0x5B00]  }
0x96: {  	s3 =	sor.u32 $0x380, s3;
	v14 =	vadd.f32 v15, v14;
	v15 =	vmul.f32 v16, v6  }
0x97: {  	v16 =	vld [tilespmem:s3+$0x5800]  }
0x98: {  	v14 =	vadd.f32 v15, v14;
	v15 =	vmul.f32 v17, v7  }
0x99: {  	v17 =	vld [tilespmem:s2+$0x6800]  }
0x9a: {  	v14 =	vadd.f32 v15, v14;
	v15 =	vmul.f32 v18, v8  }
0x9b: {  	v18 =	vld [tilespmem:s2+$0x6880]  }
0x9c: {  	v14 =	vadd.f32 v15, v14;
	v15 =	vmul.f32 v16, v9  }
0x9d: {  	v16 =	vld [tilespmem:s2+$0x6900]  }
0x9e: {  	v14 =	vadd.f32 v15, v14;
	v15 =	vmul.f32 v17, v10  }
0x9f: {  	v17 =	vld [tilespmem:s2+$0x6980]  }
0xa0: {  	v14 =	vadd.f32 v15, v14;
	v15 =	vmul.f32 v18, v11  }
0xa1: {  	v18 =	vld [tilespmem:s2+$0x6A00]  }
0xa2: {  	v14 =	vadd.f32 v15, v14;
	v15 =	vmul.f32 v16, v12;
	_ =	sdelay $0x1  }
0xa3: {  	v14 =	vadd.f32 v15, v14;
	v15 =	vmul.f32 v17, v13;
	_ =	sdelay $0x1  }
.Ltmp1:
0xa4: {  	v14 =	vadd.f32 v15, v14;
	v15 =	vmul.f32 v18, v0;
	(pc) =	sbr.rel @p0 .LBB2_4-.Ltmp1, $4  }
0xa5: {  	_ = 	snop  }
0xa6: {  	v14 =	vadd.f32 v15, v14  }
0xa7: {  	s1 =	sadd.s32 $0x80, s1;
	s5 =	sadd.s32 $0x10, s5;
	s30 =	sadd.s32 $0x10, s30  }
0xa8: {  	s0 =	sadd.s32 $0x10, s0;
	s3 =	sand.u32 $0xC00, s1;
	s2 =	sand.u32 $0x70, s31;
	[tilespmem:s30+$0x0] =	vst v14  }
0xa9: {  	v14 =	vld [tilespmem:s5+$0x0];
	s0 =	sor.u32 s2, s3  }
0xaa: {  	v15 =	vld [tilespmem:s0+$0x5800];
	_ =	sdelay $0x1  }
0xab: {  	v16 =	vld [tilespmem:s0+$0x5880];
	_ =	sdelay $0x1  }
0xac: {  	v17 =	vld [tilespmem:s0+$0x5900]  }
0xad: {  	v4 =	vadd.f32 v14, v4;
	v1 =	vmul.f32 v15, v1  }
0xae: {  	v57 =	vld [tilespmem:s0+$0x5980]  }
0xaf: {  	v2 =	vmul.f32 v16, v2;
	v1 =	vadd.f32 v1, v4  }
0xb0: {  	v58 =	vld [tilespmem:s0+$0x5A00]  }
0xb1: {  	v1 =	vadd.f32 v2, v1;
	v2 =	vmul.f32 v17, v3  }
0xb2: {  	v3 =	vld [tilespmem:s0+$0x5A80]  }
0xb3: {  	v1 =	vadd.f32 v2, v1;
	v2 =	vmul.f32 v57, v5  }
0xb4: {  	s1 =	sor.u32 s1, s31;
	v59 =	vld [tilespmem:s0+$0x5B00]  }
0xb5: {  	s1 =	sor.u32 $0x380, s1;
	v1 =	vadd.f32 v2, v1;
	v2 =	vmul.f32 v58, v6  }
0xb6: {  	v60 =	vld [tilespmem:s1+$0x5800]  }
0xb7: {  	v1 =	vadd.f32 v2, v1;
	v2 =	vmul.f32 v3, v7  }
0xb8: {  	v3 =	vld [tilespmem:s0+$0x6800]  }
0xb9: {  	v1 =	vadd.f32 v2, v1;
	v2 =	vmul.f32 v59, v8  }
0xba: {  	v61 =	vld [tilespmem:s0+$0x6880]  }
0xbb: {  	v1 =	vadd.f32 v2, v1;
	v2 =	vmul.f32 v60, v9  }
0xbc: {  	v62 =	vld [tilespmem:s0+$0x6900]  }
0xbd: {  	v1 =	vadd.f32 v2, v1;
	v2 =	vmul.f32 v3, v10  }
0xbe: {  	v3 =	vld [tilespmem:s0+$0x6980]  }
0xbf: {  	v1 =	vadd.f32 v2, v1;
	v2 =	vmul.f32 v61, v11  }
0xc0: {  	v63 =	vld [tilespmem:s0+$0x6A00]  }
0xc1: {  	v1 =	vadd.f32 v2, v1;
	v2 =	vmul.f32 v62, v12;
	_ =	sdelay $0x1  }
0xc2: {  	v1 =	vadd.f32 v2, v1;
	v2 =	vmul.f32 v3, v13;
	_ =	sdelay $0x1  }
0xc3: {  	v0 =	vmul.f32 v63, v0;
	v1 =	vadd.f32 v2, v1;
	_ =	sdelay $0x1  }
0xc4: {  	v0 =	vadd.f32 v0, v1  }
0xc5: {  	s31 =	sadd.s32 $0x10, s30  }
0xc6: {  	[tilespmem:s31+$0x0] =	vst v0  }
0xc7: {  	_ =	swait.ge [sflag:s26], $0xC00  }
0xc8: {  	[sflag:s26] =	ssyncset.done $0x0  }
0xc9: {  	s1 =	simm.s32 $0x4C00;
	[sflag:s26] =	ssyncadd.s32 $0xFFFFF400  }
0xca: {  	s0 =	simm.s32 $0x7B80;
	v0 =	vld [tilespmem:s1+$0x0]  }
0xcb: {  	s5 =	simm.s32 $0x0;
	s30 =	simm.s32 $0x10;
	v1 =	vld [tilespmem:s0+$0x0]  }
.LBB2_6:
0xcc: {  	p0 =	sne.s32 s30, $0x1F0;
	s2 =	sand.u32 $0x1F0, s5;
	s5 =	smov.u32 s30  }
0xcd: {  	v2 =	vld [tilespmem:s2+$0x4E00];
	_ =	sdelay $0x1  }
0xce: {  	v3 =	vld [tilespmem:s2+$0x5000]  }
0xcf: {  	v0 =	vadd.f32 v0, v1  }
0xd0: {  	v1 =	vld [tilespmem:s2+$0x5200]  }
0xd1: {  	v0 =	vadd.f32 v2, v0  }
0xd2: {  	v2 =	vld [tilespmem:s2+$0x5400]  }
0xd3: {  	v0 =	vadd.f32 v3, v0  }
0xd4: {  	v3 =	vld [tilespmem:s2+$0x5600]  }
0xd5: {  	v0 =	vadd.f32 v1, v0;
	_ =	sdelay $0x1  }
0xd6: {  	v0 =	vadd.f32 v2, v0;
	_ =	sdelay $0x1  }
.Ltmp2:
0xd7: {  	v0 =	vadd.f32 v3, v0;
	(pc) =	sbr.rel @p0 .LBB2_6-.Ltmp2, $4  }
0xd8: {  	_ = 	snop  }
0xd9: {  	s1 =	sadd.s32 $0x10, s1;
	[tilespmem:s0+$0x0] =	vst v0  }
0xda: {  	s0 =	sadd.s32 $0x10, s0;
	v0 =	vld [tilespmem:s1+$0x0]  }
0xdb: {  	s30 =	sadd.s32 $0x10, s30;
	v1 =	vld [tilespmem:s0+$0x0]  }
0xdc: {  	s1 =	sand.u32 $0x1F0, s5  }
0xdd: {  	v2 =	vld [tilespmem:s1+$0x4E00];
	_ =	sdelay $0x1  }
0xde: {  	v3 =	vld [tilespmem:s1+$0x5000]  }
0xdf: {  	v0 =	vadd.f32 v0, v1  }
0xe0: {  	v61 =	vld [tilespmem:s1+$0x5200]  }
0xe1: {  	v0 =	vadd.f32 v2, v0  }
0xe2: {  	v62 =	vld [tilespmem:s1+$0x5400]  }
0xe3: {  	v0 =	vadd.f32 v3, v0  }
0xe4: {  	v63 =	vld [tilespmem:s1+$0x5600]  }
0xe5: {  	v0 =	vadd.f32 v61, v0;
	_ =	sdelay $0x1  }
0xe6: {  	v0 =	vadd.f32 v62, v0;
	_ =	sdelay $0x1  }
0xe7: {  	s29 =	sadd.s32 $0x1, s29;
	v0 =	vadd.f32 v63, v0  }
0xe8: {  	p0 =	sne.s32 s29, s11  }
.Ltmp3:
0xe9: {  	[tilespmem:s0+$0x0] =	vst v0;
	(pc) =	sbr.rel @p0 .LBB2_1-.Ltmp3, $4  }
0xea: {  	[hbm4b:s10+s6] =	stream.linear.scatter [tilespmem:s28], [sflag:$0x5], $0x200, $0x38;
	[tilespmem:$0x7D80] =	vst v63  }
0xeb: {  	_ =	swait.ge [sflag:s17], $0x200  }
0xec: {  	[sflag:s17] =	ssyncset.done $0x0  }
0xed: {  	[sflag:s17] =	ssyncadd.s32 $0xFFFFFE00  }
0xee: {  	_ =	sfence.sel $0x180000  }
0xef: {  	[bflag:$0x0] =	sbarrier.arrive $0xFFFF  }
0xf0: {  	_ =	strace $0x9000004A  }
0xf1: {  	s0 =	stileid.u32;
	[bflag:$0x2] =	sbarrier.arrive $0xFFFF  }
0xf2: {  	p0 =	sne.s32 s0, $0x0;
	s0 =	rddreg [dreg:$0x8]  }
0xf3: {  	s0 =	sadd.s32 @!p0 $0x100000, s0  }
0xf4: {  	[sflag:s0] =	ssyncadd.tile.s32 @!p0 $0x1;
	_ =	shalt  }
.Lfunc_end2:
_tile_overlayer_lowered:
.L_overlay_start_2:
0xf5: {  	(tag) =	ssettag $0x2  }
0xf6: {  	s0 =	rddreg [dreg:$0x0];
	s2 =	stileid.u32  }
0xf7: {  	s1 =	rddreg [dreg:$0x1];
	p0 =	sne.s32 s2, $0x0  }
0xf8: {  	s3 =	rddreg [dreg:$0x2];
	[bflag:$0x3] =	sbarrier.arrive $0xFFFF;
	s2 =	simm.s32 @!p0 $0x1C05  }
0xf9: {  	[timem:s3], [sflag:s2] =	dma.local @!p0 [hbm:s0], s1  }
0xfa: {  	s0 =	simm.s32 @!p0 $0x5  }
0xfb: {  	_ =	swait.ge @!p0 [sflag:s0], s1  }
0xfc: {  	s1 =	ssub.s32 @!p0 $0x0, s1;
	[sflag:s0] =	ssyncset.done @!p0 $0x0  }
0xfd: {  	[sflag:s0] =	ssyncadd.s32 @!p0 s1  }
0xfe: {  	[bflag:$0x3] =	sbarrier.arrive $0xFFFF  }
0xff: {  	_ =	shalt  }

</sc_bundles>
